<compile_context>
chip_gen: v7x
topology: tpu7x:2x2x1
jax: 0.10.2.dev20260603
libtpu: 0.0.44.dev20260713+nightly
codegen_flags: <defaults>
</compile_context>

<pallas_src>
import functools

import jax
import jax.numpy as jnp
from jax import lax
from jax.experimental import pallas as pl
from jax.experimental.pallas import tpu as pltpu
from jax.experimental.pallas import tpu_sc as plsc

N_NEIGH = 9


def _prep_body(m_ref, m2_ref, mb_ref):
    m = m_ref[...]
    D = m.shape[1]
    ones = jnp.ones((1, D), jnp.float32)
    m2_ref[...] = jax.lax.dot_general(
        ones, m * m, (((1,), (1,)), ((), ())),
        preferred_element_type=jnp.float32,
        precision=jax.lax.Precision.HIGHEST)
    mb_ref[...] = m.astype(jnp.bfloat16)


def _knn_body(f_ref, mb_ref, m2_ref, knn_ref, idx_ref, nrm_ref):
    f = f_ref[...]
    BN, D = f.shape
    M = mb_ref.shape[0]

    cross2 = jax.lax.dot_general(
        (-2.0 * f).astype(jnp.bfloat16), mb_ref[...],
        (((1,), (1,)), ((), ())),
        preferred_element_type=jnp.float32)
    f2 = jnp.sum(f * f, axis=1, keepdims=True)
    d2 = (f2 + m2_ref[...]) + cross2

    h = M // 2
    keep = d2[:, :h] <= d2[:, h:]
    a2 = jnp.where(keep, d2[:, :h], d2[:, h:])
    half_iota = jax.lax.broadcasted_iota(jnp.int32, (BN, h), 1)
    ai = half_iota + jnp.where(keep, 0, h)
    a = jnp.sqrt(jnp.maximum(a2, 0.0) + 1e-8)

    FOLD_W = 512
    b = a
    w = h
    while w > FOLD_W:
        hw = w // 2
        b = jnp.minimum(b[:, :hw], b[:, hw:w])
        w = hw

    m0 = jnp.min(b, axis=1, keepdims=True)
    amin = jnp.min(jnp.where(a == m0, ai, M),
                   axis=1, keepdims=True)
    idx_ref[...] = amin

    vals = [m0]
    b = jnp.where(b == m0, jnp.inf, b)
    for _ in range(N_NEIGH - 1):
        mk = jnp.min(b, axis=1, keepdims=True)
        vals.append(mk)
        b = jnp.where(b == mk, jnp.inf, b)

    knn = jnp.concatenate(vals, axis=1)
    knn_ref[...] = knn
    nrm_ref[...] = jnp.broadcast_to(knn[:, 0:1] + 1e-8, nrm_ref.shape)


def _make_sc_influence(N, D, M):
    info = plsc.get_sparse_core_info()
    NC, NS, L = info.num_cores, info.num_subcores, info.num_lanes
    NW = NC * NS
    RPW = N // NW
    mesh = plsc.VectorSubcoreMesh(core_axis_name="c", subcore_axis_name="s")

    @functools.partial(
        pl.kernel, mesh=mesh,
        out_type=jax.ShapeDtypeStruct((N, D), jnp.float32),
        scratch_types=[
            pltpu.VMEM((RPW,), jnp.int32),
            pltpu.VMEM((RPW, D), jnp.float32),
            pltpu.VMEM((RPW, D), jnp.float32),
            pltpu.VMEM((RPW, L), jnp.float32),
            pltpu.VMEM((RPW, D), jnp.float32),
            pltpu.SemaphoreType.DMA,
        ],
    )
    def sc_influence(bank_hbm, idx_hbm, f_hbm, nrm_hbm, out_hbm,
                     idx_v, nn_v, f_v, nrm_v, out_v, sem):
        wid = lax.axis_index("s") * NC + lax.axis_index("c")
        base = wid * RPW
        pltpu.sync_copy(idx_hbm.at[pl.ds(base, RPW)], idx_v)
        pltpu.async_copy(bank_hbm.at[idx_v], nn_v, sem).wait()
        pltpu.sync_copy(f_hbm.at[pl.ds(base, RPW)], f_v)
        pltpu.sync_copy(nrm_hbm.at[pl.ds(base, RPW)], nrm_v)

        def row(r, carry):
            nrm = nrm_v[r, :]
            for c in range(D // L):
                sl = pl.ds(c * L, L)
                out_v[r, sl] = jnp.abs((f_v[r, sl] - nn_v[r, sl]) / nrm)
            return carry

        lax.fori_loop(0, RPW, row, 0)
        pltpu.sync_copy(out_v, out_hbm.at[pl.ds(base, RPW)])

    return sc_influence


def kernel(features, memory_bank):
    N, D = features.shape
    M = memory_bank.shape[0]
    K = min(N_NEIGH, M)
    BN = 256
    L = plsc.get_sparse_core_info().num_lanes

    m2, mb = pl.pallas_call(
        _prep_body,
        out_shape=[
            jax.ShapeDtypeStruct((1, M), jnp.float32),
            jax.ShapeDtypeStruct((M, D), jnp.bfloat16),
        ],
    )(memory_bank)

    knn, amin, nrm = pl.pallas_call(
        _knn_body,
        grid=(N // BN,),
        in_specs=[
            pl.BlockSpec((BN, D), lambda i: (i, 0)),
            pl.BlockSpec((M, D), lambda i: (0, 0)),
            pl.BlockSpec((1, M), lambda i: (0, 0)),
        ],
        out_specs=[
            pl.BlockSpec((BN, K), lambda i: (i, 0)),
            pl.BlockSpec((BN, 1), lambda i: (i, 0)),
            pl.BlockSpec((BN, L), lambda i: (i, 0)),
        ],
        out_shape=[
            jax.ShapeDtypeStruct((N, K), jnp.float32),
            jax.ShapeDtypeStruct((N, 1), jnp.int32),
            jax.ShapeDtypeStruct((N, L), jnp.float32),
        ],
    )(features, mb, m2)

    influence = _make_sc_influence(N, D, M)(
        memory_bank, amin.reshape(N), features, nrm)
    return influence, knn

# --- scband reference (transcript-rebuilt; emitter-appended) ---
"""Pipeline reference for scband-rdpp-noising-61692910240215 (READ-ONLY COPY).

The authoritative reference and input builder live on the scoring server;
editing this copy changes nothing except your own understanding.
"""

import jax, jax.numpy as jnp
import numpy as np

N_NEIGHBORS = 9


def setup_inputs(seed: int = 0) -> dict:
    key = jax.random.key(seed)
    k1, k2 = jax.random.split(key)
    features = jax.random.normal(k1, (4096, 256), dtype=jnp.float32)
    memory_bank = jax.random.normal(k2, (16384, 256), dtype=jnp.float32)
    return {"features": features, "memory_bank": memory_bank}


def reference(features, memory_bank):
    # Faithful port of AdaptiveNoisingModule.compute_influence_analytical:
    # batched kNN distance computation (here fully vectorized, same math),
    # followed by the analytical gradient influence map.
    K = min(N_NEIGHBORS, memory_bank.shape[0])
    f_norm_sq = jnp.sum(features ** 2, axis=1, keepdims=True)          # [N, 1]
    m_norm_sq = jnp.sum(memory_bank ** 2, axis=1, keepdims=True).T     # [1, M]
    cross_term = features @ memory_bank.T                              # [N, M]
    dist_sq = f_norm_sq + m_norm_sq - 2.0 * cross_term
    dist_sq = jnp.clip(dist_sq, 0.0, None)
    distances = jnp.sqrt(dist_sq + 1e-08)
    # smallest-K via top_k on negated distances
    neg_topk_dist, topk_idx = jax.lax.top_k(-distances, K)
    knn_distances = -neg_topk_dist                                     # [N, K]
    nearest_neighbors = jnp.take(memory_bank, topk_idx[:, 0], axis=0)  # [N, D]
    diff = features - nearest_neighbors
    norm = knn_distances[:, 0:1] + 1e-08
    gradient = diff / norm
    influence = jnp.abs(gradient)
    return influence, knn_distances

if __name__ == "__main__":
    import jax
    _d = setup_inputs()
    print(jax.jit(kernel)(*tuple(_d.values())))

</pallas_src>

<mosaic_0001>
#map = affine_map<(d0, d1) -> (0, 0)>
#map1 = affine_map<(d0, d1) -> (0)>
module attributes {stable_mosaic.version = 14 : i64} {
  func.func @sc_influence(%arg0: i32, %arg1: i32, %arg2: memref<16384x256xf32, #tpu.memory_space<hbm>>, %arg3: memref<4096xi32, #tpu.memory_space<hbm>>, %arg4: memref<4096x256xf32, #tpu.memory_space<hbm>>, %arg5: memref<4096x16xf32, #tpu.memory_space<hbm>>, %arg6: memref<4096x256xf32, #tpu.memory_space<hbm>>, %arg7: memref<128xi32, #tpu.memory_space<vmem>>, %arg8: memref<128x256xf32, #tpu.memory_space<vmem>>, %arg9: memref<128x256xf32, #tpu.memory_space<vmem>>, %arg10: memref<128x16xf32, #tpu.memory_space<vmem>>, %arg11: memref<128x256xf32, #tpu.memory_space<vmem>>, %arg12: memref<!tpu.dma_semaphore, #tpu.memory_space<semaphore_mem>>) attributes {dimension_semantics = [#tpu.dimension_semantics<core_parallel>, #tpu.dimension_semantics<subcore_parallel>], iteration_bounds = array<i64: 2, 16>, scalar_prefetch = 0 : i64, scratch_operands = 6 : i64, tpu.core_type = #tpu.core_type<sc_vector_subcore>, window_params = [{transform_indices = #map}, {transform_indices = #map1}, {transform_indices = #map}, {transform_indices = #map}, {transform_indices = #map}]} {
    %mul3A = arith.constant 2 : i32
    %mul3A_0 = arith.muli %arg1, %mul3A : i32
    %add3A = arith.addi %mul3A_0, %arg0 : i32
    %mul3A_1 = arith.constant 128 : i32
    %mul3A_2 = arith.muli %add3A, %mul3A_1 : i32
    "tpu.region"() ({
      %run_scoped3A = tpu.sem_alloc : memref<!tpu.dma_semaphore, #tpu.memory_space<semaphore_mem>>
      %dma_start3A_12 = tpu.memref_slice %arg3[%mul3A_2] : memref<4096xi32, #tpu.memory_space<hbm>> -> memref<128xi32, #tpu.memory_space<hbm>>
      %dma_start3A_13 = tpu.memref_slice %arg3[%mul3A_2] : memref<4096xi32, #tpu.memory_space<hbm>> -> memref<128xi32, #tpu.memory_space<hbm>>
      tpu.enqueue_dma source(%dma_start3A_13 : memref<128xi32, #tpu.memory_space<hbm>>) target(%arg7 : memref<128xi32, #tpu.memory_space<vmem>>) target_semaphore(%run_scoped3A : memref<!tpu.dma_semaphore, #tpu.memory_space<semaphore_mem>>)
      %dma_wait3A_14 = tpu.memref_slice %arg3[%mul3A_2] : memref<4096xi32, #tpu.memory_space<hbm>> -> memref<128xi32, #tpu.memory_space<hbm>>
      %dma_wait3A_15 = tpu.memref_slice %arg3[%mul3A_2] : memref<4096xi32, #tpu.memory_space<hbm>> -> memref<128xi32, #tpu.memory_space<hbm>>
      tpu.wait_dma2 semaphore(%run_scoped3A : memref<!tpu.dma_semaphore, #tpu.memory_space<semaphore_mem>>) src(%dma_wait3A_15 : memref<128xi32, #tpu.memory_space<hbm>>) dst(%arg7 : memref<128xi32, #tpu.memory_space<vmem>>)
      tpu.yield
    }) : () -> ()
    %dma_start3A = arith.constant 0 : i32
    %dma_start3A_3 = arith.constant 0 : i32
    %dma_start3A_4 = tpu.memref_slice %arg2[%dma_start3A, %dma_start3A_3] : memref<16384x256xf32, #tpu.memory_space<hbm>> -> memref<16384x256xf32, #tpu.memory_space<hbm>>
    tpu.enqueue_indirect_dma source(%dma_start3A_4 : memref<16384x256xf32, #tpu.memory_space<hbm>>) target(%arg8 : memref<128x256xf32, #tpu.memory_space<vmem>>) offsets(%arg7 : memref<128xi32, #tpu.memory_space<vmem>>) semaphore(%arg12 : memref<!tpu.dma_semaphore, #tpu.memory_space<semaphore_mem>>)
    %dma_wait3A = arith.constant 0 : i32
    %dma_wait3A_5 = arith.constant 0 : i32
    %dma_wait3A_6 = tpu.memref_slice %arg2[%dma_wait3A, %dma_wait3A_5] : memref<16384x256xf32, #tpu.memory_space<hbm>> -> memref<16384x256xf32, #tpu.memory_space<hbm>>
    tpu.wait_indirect_dma semaphore(%arg12 : memref<!tpu.dma_semaphore, #tpu.memory_space<semaphore_mem>>) src(%dma_wait3A_6 : memref<16384x256xf32, #tpu.memory_space<hbm>>) dst(%arg8 : memref<128x256xf32, #tpu.memory_space<vmem>>)
    "tpu.region"() ({
      %run_scoped3A = tpu.sem_alloc : memref<!tpu.dma_semaphore, #tpu.memory_space<semaphore_mem>>
      %dma_start3A_12 = arith.constant 0 : i32
      %dma_start3A_13 = tpu.memref_slice %arg4[%mul3A_2, %dma_start3A_12] : memref<4096x256xf32, #tpu.memory_space<hbm>> -> memref<128x256xf32, #tpu.memory_space<hbm>>
      %dma_start3A_14 = arith.constant 0 : i32
      %dma_start3A_15 = tpu.memref_slice %arg4[%mul3A_2, %dma_start3A_14] : memref<4096x256xf32, #tpu.memory_space<hbm>> -> memref<128x256xf32, #tpu.memory_space<hbm>>
      tpu.enqueue_dma source(%dma_start3A_15 : memref<128x256xf32, #tpu.memory_space<hbm>>) target(%arg9 : memref<128x256xf32, #tpu.memory_space<vmem>>) target_semaphore(%run_scoped3A : memref<!tpu.dma_semaphore, #tpu.memory_space<semaphore_mem>>)
      %dma_wait3A_16 = arith.constant 0 : i32
      %dma_wait3A_17 = tpu.memref_slice %arg4[%mul3A_2, %dma_wait3A_16] : memref<4096x256xf32, #tpu.memory_space<hbm>> -> memref<128x256xf32, #tpu.memory_space<hbm>>
      %dma_wait3A_18 = arith.constant 0 : i32
      %dma_wait3A_19 = tpu.memref_slice %arg4[%mul3A_2, %dma_wait3A_18] : memref<4096x256xf32, #tpu.memory_space<hbm>> -> memref<128x256xf32, #tpu.memory_space<hbm>>
      tpu.wait_dma2 semaphore(%run_scoped3A : memref<!tpu.dma_semaphore, #tpu.memory_space<semaphore_mem>>) src(%dma_wait3A_19 : memref<128x256xf32, #tpu.memory_space<hbm>>) dst(%arg9 : memref<128x256xf32, #tpu.memory_space<vmem>>)
      tpu.yield
    }) : () -> ()
    "tpu.region"() ({
      %run_scoped3A = tpu.sem_alloc : memref<!tpu.dma_semaphore, #tpu.memory_space<semaphore_mem>>
      %dma_start3A_12 = arith.constant 0 : i32
      %dma_start3A_13 = tpu.memref_slice %arg5[%mul3A_2, %dma_start3A_12] : memref<4096x16xf32, #tpu.memory_space<hbm>> -> memref<128x16xf32, #tpu.memory_space<hbm>>
      %dma_start3A_14 = arith.constant 0 : i32
      %dma_start3A_15 = tpu.memref_slice %arg5[%mul3A_2, %dma_start3A_14] : memref<4096x16xf32, #tpu.memory_space<hbm>> -> memref<128x16xf32, #tpu.memory_space<hbm>>
      tpu.enqueue_dma source(%dma_start3A_15 : memref<128x16xf32, #tpu.memory_space<hbm>>) target(%arg10 : memref<128x16xf32, #tpu.memory_space<vmem>>) target_semaphore(%run_scoped3A : memref<!tpu.dma_semaphore, #tpu.memory_space<semaphore_mem>>)
      %dma_wait3A_16 = arith.constant 0 : i32
      %dma_wait3A_17 = tpu.memref_slice %arg5[%mul3A_2, %dma_wait3A_16] : memref<4096x16xf32, #tpu.memory_space<hbm>> -> memref<128x16xf32, #tpu.memory_space<hbm>>
      %dma_wait3A_18 = arith.constant 0 : i32
      %dma_wait3A_19 = tpu.memref_slice %arg5[%mul3A_2, %dma_wait3A_18] : memref<4096x16xf32, #tpu.memory_space<hbm>> -> memref<128x16xf32, #tpu.memory_space<hbm>>
      tpu.wait_dma2 semaphore(%run_scoped3A : memref<!tpu.dma_semaphore, #tpu.memory_space<semaphore_mem>>) src(%dma_wait3A_19 : memref<128x16xf32, #tpu.memory_space<hbm>>) dst(%arg10 : memref<128x16xf32, #tpu.memory_space<vmem>>)
      tpu.yield
    }) : () -> ()
    %scan3A = arith.constant 0 : i32
    %scan3A_7 = arith.constant 0 : i32
    %scan3A_8 = arith.constant 128 : i32
    %scan3A_9 = arith.addi %scan3A_7, %scan3A_8 : i32
    %scan3A_10 = arith.constant 1 : i32
    scf.for %scan3A_12 = %scan3A_7 to %scan3A_9 step %scan3A_10  : i32 {
      %get3A = arith.index_cast %scan3A_12 : i32 to index
      %get3A_13 = arith.constant 0 : index
      %get3A_14 = tpu.vector_load %arg10[%get3A, %get3A_13] {strides = array<i32>} : memref<128x16xf32, #tpu.memory_space<vmem>>, vector<1x16xf32>,
      %get3A_15 = vector.shape_cast %get3A_14 : vector<1x16xf32> to vector<16xf32>
      %get3A_16 = arith.index_cast %scan3A_12 : i32 to index
      %get3A_17 = arith.constant 0 : index
      %get3A_18 = tpu.vector_load %arg9[%get3A_16, %get3A_17] {strides = array<i32>} : memref<128x256xf32, #tpu.memory_space<vmem>>, vector<1x16xf32>,
      %get3A_19 = vector.shape_cast %get3A_18 : vector<1x16xf32> to vector<16xf32>
      %get3A_20 = arith.index_cast %scan3A_12 : i32 to index
      %get3A_21 = arith.constant 0 : index
      %get3A_22 = tpu.vector_load %arg8[%get3A_20, %get3A_21] {strides = array<i32>} : memref<128x256xf32, #tpu.memory_space<vmem>>, vector<1x16xf32>,
      %get3A_23 = vector.shape_cast %get3A_22 : vector<1x16xf32> to vector<16xf32>
      %sub3A = arith.subf %get3A_19, %get3A_23 : vector<16xf32>
      %div3A = arith.divf %sub3A, %get3A_15 : vector<16xf32>
      %abs3A = math.absf %div3A : vector<16xf32>
      %swap3A = arith.index_cast %scan3A_12 : i32 to index
      %swap3A_24 = arith.constant 0 : index
      %swap3A_25 = tpu.vector_load %arg11[%swap3A, %swap3A_24] {strides = array<i32>} : memref<128x256xf32, #tpu.memory_space<vmem>>, vector<1x16xf32>,
      %swap3A_26 = vector.shape_cast %swap3A_25 : vector<1x16xf32> to vector<16xf32>
      %swap3A_27 = vector.shape_cast %abs3A : vector<16xf32> to vector<1x16xf32>
      tpu.vector_store %arg11[%swap3A, %swap3A_24], %swap3A_27 {strides = array<i32>} : memref<128x256xf32, #tpu.memory_space<vmem>>, vector<1x16xf32>,
      %get3A_28 = arith.index_cast %scan3A_12 : i32 to index
      %get3A_29 = arith.constant 16 : index
      %get3A_30 = tpu.vector_load %arg9[%get3A_28, %get3A_29] {strides = array<i32>} : memref<128x256xf32, #tpu.memory_space<vmem>>, vector<1x16xf32>,
      %get3A_31 = vector.shape_cast %get3A_30 : vector<1x16xf32> to vector<16xf32>
      %get3A_32 = arith.index_cast %scan3A_12 : i32 to index
      %get3A_33 = arith.constant 16 : index
      %get3A_34 = tpu.vector_load %arg8[%get3A_32, %get3A_33] {strides = array<i32>} : memref<128x256xf32, #tpu.memory_space<vmem>>, vector<1x16xf32>,
      %get3A_35 = vector.shape_cast %get3A_34 : vector<1x16xf32> to vector<16xf32>
      %sub3A_36 = arith.subf %get3A_31, %get3A_35 : vector<16xf32>
      %div3A_37 = arith.divf %sub3A_36, %get3A_15 : vector<16xf32>
      %abs3A_38 = math.absf %div3A_37 : vector<16xf32>
      %swap3A_39 = arith.index_cast %scan3A_12 : i32 to index
      %swap3A_40 = arith.constant 16 : index
      %swap3A_41 = tpu.vector_load %arg11[%swap3A_39, %swap3A_40] {strides = array<i32>} : memref<128x256xf32, #tpu.memory_space<vmem>>, vector<1x16xf32>,
      %swap3A_42 = vector.shape_cast %swap3A_41 : vector<1x16xf32> to vector<16xf32>
      %swap3A_43 = vector.shape_cast %abs3A_38 : vector<16xf32> to vector<1x16xf32>
      tpu.vector_store %arg11[%swap3A_39, %swap3A_40], %swap3A_43 {strides = array<i32>} : memref<128x256xf32, #tpu.memory_space<vmem>>, vector<1x16xf32>,
      %get3A_44 = arith.index_cast %scan3A_12 : i32 to index
      %get3A_45 = arith.constant 32 : index
      %get3A_46 = tpu.vector_load %arg9[%get3A_44, %get3A_45] {strides = array<i32>} : memref<128x256xf32, #tpu.memory_space<vmem>>, vector<1x16xf32>,
      %get3A_47 = vector.shape_cast %get3A_46 : vector<1x16xf32> to vector<16xf32>
      %get3A_48 = arith.index_cast %scan3A_12 : i32 to index
      %get3A_49 = arith.constant 32 : index
      %get3A_50 = tpu.vector_load %arg8[%get3A_48, %get3A_49] {strides = array<i32>} : memref<128x256xf32, #tpu.memory_space<vmem>>, vector<1x16xf32>,
      %get3A_51 = vector.shape_cast %get3A_50 : vector<1x16xf32> to vector<16xf32>
      %sub3A_52 = arith.subf %get3A_47, %get3A_51 : vector<16xf32>
      %div3A_53 = arith.divf %sub3A_52, %get3A_15 : vector<16xf32>
      %abs3A_54 = math.absf %div3A_53 : vector<16xf32>
      %swap3A_55 = arith.index_cast %scan3A_12 : i32 to index
      %swap3A_56 = arith.constant 32 : index
      %swap3A_57 = tpu.vector_load %arg11[%swap3A_55, %swap3A_56] {strides = array<i32>} : memref<128x256xf32, #tpu.memory_space<vmem>>, vector<1x16xf32>,
      %swap3A_58 = vector.shape_cast %swap3A_57 : vector<1x16xf32> to vector<16xf32>
      %swap3A_59 = vector.shape_cast %abs3A_54 : vector<16xf32> to vector<1x16xf32>
      tpu.vector_store %arg11[%swap3A_55, %swap3A_56], %swap3A_59 {strides = array<i32>} : memref<128x256xf32, #tpu.memory_space<vmem>>, vector<1x16xf32>,
      %get3A_60 = arith.index_cast %scan3A_12 : i32 to index
      %get3A_61 = arith.constant 48 : index
      %get3A_62 = tpu.vector_load %arg9[%get3A_60, %get3A_61] {strides = array<i32>} : memref<128x256xf32, #tpu.memory_space<vmem>>, vector<1x16xf32>,
      %get3A_63 = vector.shape_cast %get3A_62 : vector<1x16xf32> to vector<16xf32>
      %get3A_64 = arith.index_cast %scan3A_12 : i32 to index
      %get3A_65 = arith.constant 48 : index
      %get3A_66 = tpu.vector_load %arg8[%get3A_64, %get3A_65] {strides = array<i32>} : memref<128x256xf32, #tpu.memory_space<vmem>>, vector<1x16xf32>,
      %get3A_67 = vector.shape_cast %get3A_66 : vector<1x16xf32> to vector<16xf32>
      %sub3A_68 = arith.subf %get3A_63, %get3A_67 : vector<16xf32>
      %div3A_69 = arith.divf %sub3A_68, %get3A_15 : vector<16xf32>
      %abs3A_70 = math.absf %div3A_69 : vector<16xf32>
      %swap3A_71 = arith.index_cast %scan3A_12 : i32 to index
      %swap3A_72 = arith.constant 48 : index
      %swap3A_73 = tpu.vector_load %arg11[%swap3A_71, %swap3A_72] {strides = array<i32>} : memref<128x256xf32, #tpu.memory_space<vmem>>, vector<1x16xf32>,
      %swap3A_74 = vector.shape_cast %swap3A_73 : vector<1x16xf32> to vector<16xf32>
      %swap3A_75 = vector.shape_cast %abs3A_70 : vector<16xf32> to vector<1x16xf32>
      tpu.vector_store %arg11[%swap3A_71, %swap3A_72], %swap3A_75 {strides = array<i32>} : memref<128x256xf32, #tpu.memory_space<vmem>>, vector<1x16xf32>,
      %get3A_76 = arith.index_cast %scan3A_12 : i32 to index
      %get3A_77 = arith.constant 64 : index
      %get3A_78 = tpu.vector_load %arg9[%get3A_76, %get3A_77] {strides = array<i32>} : memref<128x256xf32, #tpu.memory_space<vmem>>, vector<1x16xf32>,
      %get3A_79 = vector.shape_cast %get3A_78 : vector<1x16xf32> to vector<16xf32>
      %get3A_80 = arith.index_cast %scan3A_12 : i32 to index
      %get3A_81 = arith.constant 64 : index
      %get3A_82 = tpu.vector_load %arg8[%get3A_80, %get3A_81] {strides = array<i32>} : memref<128x256xf32, #tpu.memory_space<vmem>>, vector<1x16xf32>,
      %get3A_83 = vector.shape_cast %get3A_82 : vector<1x16xf32> to vector<16xf32>
      %sub3A_84 = arith.subf %get3A_79, %get3A_83 : vector<16xf32>
      %div3A_85 = arith.divf %sub3A_84, %get3A_15 : vector<16xf32>
      %abs3A_86 = math.absf %div3A_85 : vector<16xf32>
      %swap3A_87 = arith.index_cast %scan3A_12 : i32 to index
      %swap3A_88 = arith.constant 64 : index
      %swap3A_89 = tpu.vector_load %arg11[%swap3A_87, %swap3A_88] {strides = array<i32>} : memref<128x256xf32, #tpu.memory_space<vmem>>, vector<1x16xf32>,
      %swap3A_90 = vector.shape_cast %swap3A_89 : vector<1x16xf32> to vector<16xf32>
      %swap3A_91 = vector.shape_cast %abs3A_86 : vector<16xf32> to vector<1x16xf32>
      tpu.vector_store %arg11[%swap3A_87, %swap3A_88], %swap3A_91 {strides = array<i32>} : memref<128x256xf32, #tpu.memory_space<vmem>>, vector<1x16xf32>,
      %get3A_92 = arith.index_cast %scan3A_12 : i32 to index
      %get3A_93 = arith.constant 80 : index
      %get3A_94 = tpu.vector_load %arg9[%get3A_92, %get3A_93] {strides = array<i32>} : memref<128x256xf32, #tpu.memory_space<vmem>>, vector<1x16xf32>,
      %get3A_95 = vector.shape_cast %get3A_94 : vector<1x16xf32> to vector<16xf32>
      %get3A_96 = arith.index_cast %scan3A_12 : i32 to index
      %get3A_97 = arith.constant 80 : index
      %get3A_98 = tpu.vector_load %arg8[%get3A_96, %get3A_97] {strides = array<i32>} : memref<128x256xf32, #tpu.memory_space<vmem>>, vector<1x16xf32>,
      %get3A_99 = vector.shape_cast %get3A_98 : vector<1x16xf32> to vector<16xf32>
      %sub3A_100 = arith.subf %get3A_95, %get3A_99 : vector<16xf32>
      %div3A_101 = arith.divf %sub3A_100, %get3A_15 : vector<16xf32>
      %abs3A_102 = math.absf %div3A_101 : vector<16xf32>
      %swap3A_103 = arith.index_cast %scan3A_12 : i32 to index
      %swap3A_104 = arith.constant 80 : index
      %swap3A_105 = tpu.vector_load %arg11[%swap3A_103, %swap3A_104] {strides = array<i32>} : memref<128x256xf32, #tpu.memory_space<vmem>>, vector<1x16xf32>,
      %swap3A_106 = vector.shape_cast %swap3A_105 : vector<1x16xf32> to vector<16xf32>
      %swap3A_107 = vector.shape_cast %abs3A_102 : vector<16xf32> to vector<1x16xf32>
      tpu.vector_store %arg11[%swap3A_103, %swap3A_104], %swap3A_107 {strides = array<i32>} : memref<128x256xf32, #tpu.memory_space<vmem>>, vector<1x16xf32>,
      %get3A_108 = arith.index_cast %scan3A_12 : i32 to index
      %get3A_109 = arith.constant 96 : index
      %get3A_110 = tpu.vector_load %arg9[%get3A_108, %get3A_109] {strides = array<i32>} : memref<128x256xf32, #tpu.memory_space<vmem>>, vector<1x16xf32>,
      %get3A_111 = vector.shape_cast %get3A_110 : vector<1x16xf32> to vector<16xf32>
      %get3A_112 = arith.index_cast %scan3A_12 : i32 to index
      %get3A_113 = arith.constant 96 : index
      %get3A_114 = tpu.vector_load %arg8[%get3A_112, %get3A_113] {strides = array<i32>} : memref<128x256xf32, #tpu.memory_space<vmem>>, vector<1x16xf32>,
      %get3A_115 = vector.shape_cast %get3A_114 : vector<1x16xf32> to vector<16xf32>
      %sub3A_116 = arith.subf %get3A_111, %get3A_115 : vector<16xf32>
      %div3A_117 = arith.divf %sub3A_116, %get3A_15 : vector<16xf32>
      %abs3A_118 = math.absf %div3A_117 : vector<16xf32>
      %swap3A_119 = arith.index_cast %scan3A_12 : i32 to index
      %swap3A_120 = arith.constant 96 : index
      %swap3A_121 = tpu.vector_load %arg11[%swap3A_119, %swap3A_120] {strides = array<i32>} : memref<128x256xf32, #tpu.memory_space<vmem>>, vector<1x16xf32>,
      %swap3A_122 = vector.shape_cast %swap3A_121 : vector<1x16xf32> to vector<16xf32>
      %swap3A_123 = vector.shape_cast %abs3A_118 : vector<16xf32> to vector<1x16xf32>
      tpu.vector_store %arg11[%swap3A_119, %swap3A_120], %swap3A_123 {strides = array<i32>} : memref<128x256xf32, #tpu.memory_space<vmem>>, vector<1x16xf32>,
      %get3A_124 = arith.index_cast %scan3A_12 : i32 to index
      %get3A_125 = arith.constant 112 : index
      %get3A_126 = tpu.vector_load %arg9[%get3A_124, %get3A_125] {strides = array<i32>} : memref<128x256xf32, #tpu.memory_space<vmem>>, vector<1x16xf32>,
      %get3A_127 = vector.shape_cast %get3A_126 : vector<1x16xf32> to vector<16xf32>
      %get3A_128 = arith.index_cast %scan3A_12 : i32 to index
      %get3A_129 = arith.constant 112 : index
      %get3A_130 = tpu.vector_load %arg8[%get3A_128, %get3A_129] {strides = array<i32>} : memref<128x256xf32, #tpu.memory_space<vmem>>, vector<1x16xf32>,
      %get3A_131 = vector.shape_cast %get3A_130 : vector<1x16xf32> to vector<16xf32>
      %sub3A_132 = arith.subf %get3A_127, %get3A_131 : vector<16xf32>
      %div3A_133 = arith.divf %sub3A_132, %get3A_15 : vector<16xf32>
      %abs3A_134 = math.absf %div3A_133 : vector<16xf32>
      %swap3A_135 = arith.index_cast %scan3A_12 : i32 to index
      %swap3A_136 = arith.constant 112 : index
      %swap3A_137 = tpu.vector_load %arg11[%swap3A_135, %swap3A_136] {strides = array<i32>} : memref<128x256xf32, #tpu.memory_space<vmem>>, vector<1x16xf32>,
      %swap3A_138 = vector.shape_cast %swap3A_137 : vector<1x16xf32> to vector<16xf32>
      %swap3A_139 = vector.shape_cast %abs3A_134 : vector<16xf32> to vector<1x16xf32>
      tpu.vector_store %arg11[%swap3A_135, %swap3A_136], %swap3A_139 {strides = array<i32>} : memref<128x256xf32, #tpu.memory_space<vmem>>, vector<1x16xf32>,
      %get3A_140 = arith.index_cast %scan3A_12 : i32 to index
      %get3A_141 = arith.constant 128 : index
      %get3A_142 = tpu.vector_load %arg9[%get3A_140, %get3A_141] {strides = array<i32>} : memref<128x256xf32, #tpu.memory_space<vmem>>, vector<1x16xf32>,
      %get3A_143 = vector.shape_cast %get3A_142 : vector<1x16xf32> to vector<16xf32>
      %get3A_144 = arith.index_cast %scan3A_12 : i32 to index
      %get3A_145 = arith.constant 128 : index
      %get3A_146 = tpu.vector_load %arg8[%get3A_144, %get3A_145] {strides = array<i32>} : memref<128x256xf32, #tpu.memory_space<vmem>>, vector<1x16xf32>,
      %get3A_147 = vector.shape_cast %get3A_146 : vector<1x16xf32> to vector<16xf32>
      %sub3A_148 = arith.subf %get3A_143, %get3A_147 : vector<16xf32>
      %div3A_149 = arith.divf %sub3A_148, %get3A_15 : vector<16xf32>
      %abs3A_150 = math.absf %div3A_149 : vector<16xf32>
      %swap3A_151 = arith.index_cast %scan3A_12 : i32 to index
      %swap3A_152 = arith.constant 128 : index
      %swap3A_153 = tpu.vector_load %arg11[%swap3A_151, %swap3A_152] {strides = array<i32>} : memref<128x256xf32, #tpu.memory_space<vmem>>, vector<1x16xf32>,
      %swap3A_154 = vector.shape_cast %swap3A_153 : vector<1x16xf32> to vector<16xf32>
      %swap3A_155 = vector.shape_cast %abs3A_150 : vector<16xf32> to vector<1x16xf32>
      tpu.vector_store %arg11[%swap3A_151, %swap3A_152], %swap3A_155 {strides = array<i32>} : memref<128x256xf32, #tpu.memory_space<vmem>>, vector<1x16xf32>,
      %get3A_156 = arith.index_cast %scan3A_12 : i32 to index
      %get3A_157 = arith.constant 144 : index
      %get3A_158 = tpu.vector_load %arg9[%get3A_156, %get3A_157] {strides = array<i32>} : memref<128x256xf32, #tpu.memory_space<vmem>>, vector<1x16xf32>,
      %get3A_159 = vector.shape_cast %get3A_158 : vector<1x16xf32> to vector<16xf32>
      %get3A_160 = arith.index_cast %scan3A_12 : i32 to index
      %get3A_161 = arith.constant 144 : index
      %get3A_162 = tpu.vector_load %arg8[%get3A_160, %get3A_161] {strides = array<i32>} : memref<128x256xf32, #tpu.memory_space<vmem>>, vector<1x16xf32>,
      %get3A_163 = vector.shape_cast %get3A_162 : vector<1x16xf32> to vector<16xf32>
      %sub3A_164 = arith.subf %get3A_159, %get3A_163 : vector<16xf32>
      %div3A_165 = arith.divf %sub3A_164, %get3A_15 : vector<16xf32>
      %abs3A_166 = math.absf %div3A_165 : vector<16xf32>
      %swap3A_167 = arith.index_cast %scan3A_12 : i32 to index
      %swap3A_168 = arith.constant 144 : index
      %swap3A_169 = tpu.vector_load %arg11[%swap3A_167, %swap3A_168] {strides = array<i32>} : memref<128x256xf32, #tpu.memory_space<vmem>>, vector<1x16xf32>,
      %swap3A_170 = vector.shape_cast %swap3A_169 : vector<1x16xf32> to vector<16xf32>
      %swap3A_171 = vector.shape_cast %abs3A_166 : vector<16xf32> to vector<1x16xf32>
      tpu.vector_store %arg11[%swap3A_167, %swap3A_168], %swap3A_171 {strides = array<i32>} : memref<128x256xf32, #tpu.memory_space<vmem>>, vector<1x16xf32>,
      %get3A_172 = arith.index_cast %scan3A_12 : i32 to index
      %get3A_173 = arith.constant 160 : index
      %get3A_174 = tpu.vector_load %arg9[%get3A_172, %get3A_173] {strides = array<i32>} : memref<128x256xf32, #tpu.memory_space<vmem>>, vector<1x16xf32>,
      %get3A_175 = vector.shape_cast %get3A_174 : vector<1x16xf32> to vector<16xf32>
      %get3A_176 = arith.index_cast %scan3A_12 : i32 to index
      %get3A_177 = arith.constant 160 : index
      %get3A_178 = tpu.vector_load %arg8[%get3A_176, %get3A_177] {strides = array<i32>} : memref<128x256xf32, #tpu.memory_space<vmem>>, vector<1x16xf32>,
      %get3A_179 = vector.shape_cast %get3A_178 : vector<1x16xf32> to vector<16xf32>
      %sub3A_180 = arith.subf %get3A_175, %get3A_179 : vector<16xf32>
      %div3A_181 = arith.divf %sub3A_180, %get3A_15 : vector<16xf32>
      %abs3A_182 = math.absf %div3A_181 : vector<16xf32>
      %swap3A_183 = arith.index_cast %scan3A_12 : i32 to index
      %swap3A_184 = arith.constant 160 : index
      %swap3A_185 = tpu.vector_load %arg11[%swap3A_183, %swap3A_184] {strides = array<i32>} : memref<128x256xf32, #tpu.memory_space<vmem>>, vector<1x16xf32>,
      %swap3A_186 = vector.shape_cast %swap3A_185 : vector<1x16xf32> to vector<16xf32>
      %swap3A_187 = vector.shape_cast %abs3A_182 : vector<16xf32> to vector<1x16xf32>
      tpu.vector_store %arg11[%swap3A_183, %swap3A_184], %swap3A_187 {strides = array<i32>} : memref<128x256xf32, #tpu.memory_space<vmem>>, vector<1x16xf32>,
      %get3A_188 = arith.index_cast %scan3A_12 : i32 to index
      %get3A_189 = arith.constant 176 : index
      %get3A_190 = tpu.vector_load %arg9[%get3A_188, %get3A_189] {strides = array<i32>} : memref<128x256xf32, #tpu.memory_space<vmem>>, vector<1x16xf32>,
      %get3A_191 = vector.shape_cast %get3A_190 : vector<1x16xf32> to vector<16xf32>
      %get3A_192 = arith.index_cast %scan3A_12 : i32 to index
      %get3A_193 = arith.constant 176 : index
      %get3A_194 = tpu.vector_load %arg8[%get3A_192, %get3A_193] {strides = array<i32>} : memref<128x256xf32, #tpu.memory_space<vmem>>, vector<1x16xf32>,
      %get3A_195 = vector.shape_cast %get3A_194 : vector<1x16xf32> to vector<16xf32>
      %sub3A_196 = arith.subf %get3A_191, %get3A_195 : vector<16xf32>
      %div3A_197 = arith.divf %sub3A_196, %get3A_15 : vector<16xf32>
      %abs3A_198 = math.absf %div3A_197 : vector<16xf32>
      %swap3A_199 = arith.index_cast %scan3A_12 : i32 to index
      %swap3A_200 = arith.constant 176 : index
      %swap3A_201 = tpu.vector_load %arg11[%swap3A_199, %swap3A_200] {strides = array<i32>} : memref<128x256xf32, #tpu.memory_space<vmem>>, vector<1x16xf32>,
      %swap3A_202 = vector.shape_cast %swap3A_201 : vector<1x16xf32> to vector<16xf32>
      %swap3A_203 = vector.shape_cast %abs3A_198 : vector<16xf32> to vector<1x16xf32>
      tpu.vector_store %arg11[%swap3A_199, %swap3A_200], %swap3A_203 {strides = array<i32>} : memref<128x256xf32, #tpu.memory_space<vmem>>, vector<1x16xf32>,
      %get3A_204 = arith.index_cast %scan3A_12 : i32 to index
      %get3A_205 = arith.constant 192 : index
      %get3A_206 = tpu.vector_load %arg9[%get3A_204, %get3A_205] {strides = array<i32>} : memref<128x256xf32, #tpu.memory_space<vmem>>, vector<1x16xf32>,
      %get3A_207 = vector.shape_cast %get3A_206 : vector<1x16xf32> to vector<16xf32>
      %get3A_208 = arith.index_cast %scan3A_12 : i32 to index
      %get3A_209 = arith.constant 192 : index
      %get3A_210 = tpu.vector_load %arg8[%get3A_208, %get3A_209] {strides = array<i32>} : memref<128x256xf32, #tpu.memory_space<vmem>>, vector<1x16xf32>,
      %get3A_211 = vector.shape_cast %get3A_210 : vector<1x16xf32> to vector<16xf32>
      %sub3A_212 = arith.subf %get3A_207, %get3A_211 : vector<16xf32>
      %div3A_213 = arith.divf %sub3A_212, %get3A_15 : vector<16xf32>
      %abs3A_214 = math.absf %div3A_213 : vector<16xf32>
      %swap3A_215 = arith.index_cast %scan3A_12 : i32 to index
      %swap3A_216 = arith.constant 192 : index
      %swap3A_217 = tpu.vector_load %arg11[%swap3A_215, %swap3A_216] {strides = array<i32>} : memref<128x256xf32, #tpu.memory_space<vmem>>, vector<1x16xf32>,
      %swap3A_218 = vector.shape_cast %swap3A_217 : vector<1x16xf32> to vector<16xf32>
      %swap3A_219 = vector.shape_cast %abs3A_214 : vector<16xf32> to vector<1x16xf32>
      tpu.vector_store %arg11[%swap3A_215, %swap3A_216], %swap3A_219 {strides = array<i32>} : memref<128x256xf32, #tpu.memory_space<vmem>>, vector<1x16xf32>,
      %get3A_220 = arith.index_cast %scan3A_12 : i32 to index
      %get3A_221 = arith.constant 208 : index
      %get3A_222 = tpu.vector_load %arg9[%get3A_220, %get3A_221] {strides = array<i32>} : memref<128x256xf32, #tpu.memory_space<vmem>>, vector<1x16xf32>,
      %get3A_223 = vector.shape_cast %get3A_222 : vector<1x16xf32> to vector<16xf32>
      %get3A_224 = arith.index_cast %scan3A_12 : i32 to index
      %get3A_225 = arith.constant 208 : index
      %get3A_226 = tpu.vector_load %arg8[%get3A_224, %get3A_225] {strides = array<i32>} : memref<128x256xf32, #tpu.memory_space<vmem>>, vector<1x16xf32>,
      %get3A_227 = vector.shape_cast %get3A_226 : vector<1x16xf32> to vector<16xf32>
      %sub3A_228 = arith.subf %get3A_223, %get3A_227 : vector<16xf32>
      %div3A_229 = arith.divf %sub3A_228, %get3A_15 : vector<16xf32>
      %abs3A_230 = math.absf %div3A_229 : vector<16xf32>
      %swap3A_231 = arith.index_cast %scan3A_12 : i32 to index
      %swap3A_232 = arith.constant 208 : index
      %swap3A_233 = tpu.vector_load %arg11[%swap3A_231, %swap3A_232] {strides = array<i32>} : memref<128x256xf32, #tpu.memory_space<vmem>>, vector<1x16xf32>,
      %swap3A_234 = vector.shape_cast %swap3A_233 : vector<1x16xf32> to vector<16xf32>
      %swap3A_235 = vector.shape_cast %abs3A_230 : vector<16xf32> to vector<1x16xf32>
      tpu.vector_store %arg11[%swap3A_231, %swap3A_232], %swap3A_235 {strides = array<i32>} : memref<128x256xf32, #tpu.memory_space<vmem>>, vector<1x16xf32>,
      %get3A_236 = arith.index_cast %scan3A_12 : i32 to index
      %get3A_237 = arith.constant 224 : index
      %get3A_238 = tpu.vector_load %arg9[%get3A_236, %get3A_237] {strides = array<i32>} : memref<128x256xf32, #tpu.memory_space<vmem>>, vector<1x16xf32>,
      %get3A_239 = vector.shape_cast %get3A_238 : vector<1x16xf32> to vector<16xf32>
      %get3A_240 = arith.index_cast %scan3A_12 : i32 to index
      %get3A_241 = arith.constant 224 : index
      %get3A_242 = tpu.vector_load %arg8[%get3A_240, %get3A_241] {strides = array<i32>} : memref<128x256xf32, #tpu.memory_space<vmem>>, vector<1x16xf32>,
      %get3A_243 = vector.shape_cast %get3A_242 : vector<1x16xf32> to vector<16xf32>
      %sub3A_244 = arith.subf %get3A_239, %get3A_243 : vector<16xf32>
      %div3A_245 = arith.divf %sub3A_244, %get3A_15 : vector<16xf32>
      %abs3A_246 = math.absf %div3A_245 : vector<16xf32>
      %swap3A_247 = arith.index_cast %scan3A_12 : i32 to index
      %swap3A_248 = arith.constant 224 : index
      %swap3A_249 = tpu.vector_load %arg11[%swap3A_247, %swap3A_248] {strides = array<i32>} : memref<128x256xf32, #tpu.memory_space<vmem>>, vector<1x16xf32>,
      %swap3A_250 = vector.shape_cast %swap3A_249 : vector<1x16xf32> to vector<16xf32>
      %swap3A_251 = vector.shape_cast %abs3A_246 : vector<16xf32> to vector<1x16xf32>
      tpu.vector_store %arg11[%swap3A_247, %swap3A_248], %swap3A_251 {strides = array<i32>} : memref<128x256xf32, #tpu.memory_space<vmem>>, vector<1x16xf32>,
      %get3A_252 = arith.index_cast %scan3A_12 : i32 to index
      %get3A_253 = arith.constant 240 : index
      %get3A_254 = tpu.vector_load %arg9[%get3A_252, %get3A_253] {strides = array<i32>} : memref<128x256xf32, #tpu.memory_space<vmem>>, vector<1x16xf32>,
      %get3A_255 = vector.shape_cast %get3A_254 : vector<1x16xf32> to vector<16xf32>
      %get3A_256 = arith.index_cast %scan3A_12 : i32 to index
      %get3A_257 = arith.constant 240 : index
      %get3A_258 = tpu.vector_load %arg8[%get3A_256, %get3A_257] {strides = array<i32>} : memref<128x256xf32, #tpu.memory_space<vmem>>, vector<1x16xf32>,
      %get3A_259 = vector.shape_cast %get3A_258 : vector<1x16xf32> to vector<16xf32>
      %sub3A_260 = arith.subf %get3A_255, %get3A_259 : vector<16xf32>
      %div3A_261 = arith.divf %sub3A_260, %get3A_15 : vector<16xf32>
      %abs3A_262 = math.absf %div3A_261 : vector<16xf32>
      %swap3A_263 = arith.index_cast %scan3A_12 : i32 to index
      %swap3A_264 = arith.constant 240 : index
      %swap3A_265 = tpu.vector_load %arg11[%swap3A_263, %swap3A_264] {strides = array<i32>} : memref<128x256xf32, #tpu.memory_space<vmem>>, vector<1x16xf32>,
      %swap3A_266 = vector.shape_cast %swap3A_265 : vector<1x16xf32> to vector<16xf32>
      %swap3A_267 = vector.shape_cast %abs3A_262 : vector<16xf32> to vector<1x16xf32>
      tpu.vector_store %arg11[%swap3A_263, %swap3A_264], %swap3A_267 {strides = array<i32>} : memref<128x256xf32, #tpu.memory_space<vmem>>, vector<1x16xf32>,
    }
    %scan3A_11 = arith.constant 128 : i32
    "tpu.region"() ({
      %run_scoped3A = tpu.sem_alloc : memref<!tpu.dma_semaphore, #tpu.memory_space<semaphore_mem>>
      %dma_start3A_12 = arith.constant 0 : i32
      %dma_start3A_13 = tpu.memref_slice %arg6[%mul3A_2, %dma_start3A_12] : memref<4096x256xf32, #tpu.memory_space<hbm>> -> memref<128x256xf32, #tpu.memory_space<hbm>>
      %dma_start3A_14 = arith.constant 0 : i32
      %dma_start3A_15 = tpu.memref_slice %arg6[%mul3A_2, %dma_start3A_14] : memref<4096x256xf32, #tpu.memory_space<hbm>> -> memref<128x256xf32, #tpu.memory_space<hbm>>
      tpu.enqueue_dma source(%arg11 : memref<128x256xf32, #tpu.memory_space<vmem>>) target(%dma_start3A_15 : memref<128x256xf32, #tpu.memory_space<hbm>>) target_semaphore(%run_scoped3A : memref<!tpu.dma_semaphore, #tpu.memory_space<semaphore_mem>>)
      %dma_wait3A_16 = arith.constant 0 : i32
      %dma_wait3A_17 = tpu.memref_slice %arg6[%mul3A_2, %dma_wait3A_16] : memref<4096x256xf32, #tpu.memory_space<hbm>> -> memref<128x256xf32, #tpu.memory_space<hbm>>
      %dma_wait3A_18 = arith.constant 0 : i32
      %dma_wait3A_19 = tpu.memref_slice %arg6[%mul3A_2, %dma_wait3A_18] : memref<4096x256xf32, #tpu.memory_space<hbm>> -> memref<128x256xf32, #tpu.memory_space<hbm>>
      tpu.wait_dma2 semaphore(%run_scoped3A : memref<!tpu.dma_semaphore, #tpu.memory_space<semaphore_mem>>) src(%arg11 : memref<128x256xf32, #tpu.memory_space<vmem>>) dst(%dma_wait3A_19 : memref<128x256xf32, #tpu.memory_space<hbm>>)
      tpu.yield
    }) : () -> ()
    return
  }
}

module attributes {stable_mosaic.version = 14 : i64} {
  func.func @_knn_body(%arg0: i32, %arg1: memref<256x256xf32, #tpu.memory_space<vmem>>, %arg2: memref<16384x256xbf16, #tpu.memory_space<vmem>>, %arg3: memref<1x16384xf32, #tpu.memory_space<vmem>>, %arg4: memref<256x9xf32, #tpu.memory_space<vmem>>, %arg5: memref<256x1xi32, #tpu.memory_space<vmem>>, %arg6: memref<256x16xf32, #tpu.memory_space<vmem>>) attributes {dimension_semantics = [#tpu.dimension_semantics<arbitrary>], iteration_bounds = array<i64: 16>, scalar_prefetch = 0 : i64, scratch_operands = 0 : i64, tpu.core_type = #tpu.core_type<tc>, window_params = [{transform_indices = @transform_0, window_bounds = array<i64: 256, 256>}, {pipeline_mode = #tpu.pipeline_mode<synchronous>, transform_indices = @transform_1, window_bounds = array<i64: 16384, 256>}, {pipeline_mode = #tpu.pipeline_mode<synchronous>, transform_indices = @transform_2, window_bounds = array<i64: 1, 16384>}, {transform_indices = @transform_3, window_bounds = array<i64: 256, 9>}, {transform_indices = @transform_4, window_bounds = array<i64: 256, 1>}, {transform_indices = @transform_5, window_bounds = array<i64: 256, 16>}]} {
    %get3A = arith.constant 0 : index
    %get3A_0 = arith.constant 0 : index
    %get3A_1 = vector.load %arg1[%get3A, %get3A_0] : memref<256x256xf32, #tpu.memory_space<vmem>>, vector<256x256xf32>
    %mul3A = arith.constant -2.000000e+00 : f32
    %mul3A_2 = vector.broadcast %mul3A : f32 to vector<256x256xf32>
    %mul3A_3 = arith.mulf %mul3A_2, %get3A_1 : vector<256x256xf32>
    %convert_element_type3A = arith.truncf %mul3A_3 : vector<256x256xf32> to vector<256x256xbf16>
    %get3A_4 = arith.constant 0 : index
    %get3A_5 = arith.constant 0 : index
    %get3A_6 = vector.load %arg2[%get3A_4, %get3A_5] : memref<16384x256xbf16, #tpu.memory_space<vmem>>, vector<16384x256xbf16>
    %dot_general3A = arith.constant dense<0.000000e+00> : vector<256x16384xf32>
    %dot_general3A_7 = tpu.matmul %convert_element_type3A, %get3A_6, %dot_general3A {dimension_numbers = #tpu.dot_dimension_numbers<[1], [1], [0], [0], [0, 0, 1, 0], [], []>, transpose_lhs_hint = false} : vector<256x256xbf16>, vector<16384x256xbf16>, vector<256x16384xf32> -> vector<256x16384xf32>
    %mul3A_8 = arith.mulf %get3A_1, %get3A_1 : vector<256x256xf32>
    %reduce_sum3A = arith.constant dense<0.000000e+00> : vector<256xf32>
    %reduce_sum3A_9 = vector.multi_reduction <add>, %mul3A_8, %reduce_sum3A [1] : vector<256x256xf32> to vector<256xf32>
    %broadcast_in_dim3A = vector.shape_cast %reduce_sum3A_9 : vector<256xf32> to vector<256x1xf32>
    %get3A_10 = arith.constant 0 : index
    %get3A_11 = arith.constant 0 : index
    %get3A_12 = vector.load %arg3[%get3A_10, %get3A_11] : memref<1x16384xf32, #tpu.memory_space<vmem>>, vector<1x16384xf32>
    %add3A = vector.broadcast %broadcast_in_dim3A : vector<256x1xf32> to vector<256x16384xf32>
    %add3A_13 = vector.broadcast %get3A_12 : vector<1x16384xf32> to vector<256x16384xf32>
    %add3A_14 = arith.addf %add3A, %add3A_13 : vector<256x16384xf32>
    %add3A_15 = arith.addf %add3A_14, %dot_general3A_7 : vector<256x16384xf32>
    %slice3A = vector.extract_strided_slice %add3A_15 {offsets = [0, 0], sizes = [256, 8192], strides = [1, 1]} : vector<256x16384xf32> to vector<256x8192xf32>
    %slice3A_16 = vector.extract_strided_slice %add3A_15 {offsets = [0, 8192], sizes = [256, 8192], strides = [1, 1]} : vector<256x16384xf32> to vector<256x8192xf32>
    %le3A = arith.cmpf ole, %slice3A, %slice3A_16 : vector<256x8192xf32>
    %slice3A_17 = vector.extract_strided_slice %add3A_15 {offsets = [0, 0], sizes = [256, 8192], strides = [1, 1]} : vector<256x16384xf32> to vector<256x8192xf32>
    %slice3A_18 = vector.extract_strided_slice %add3A_15 {offsets = [0, 8192], sizes = [256, 8192], strides = [1, 1]} : vector<256x16384xf32> to vector<256x8192xf32>
    %select_n3A = arith.select %le3A, %slice3A_17, %slice3A_18 : vector<256x8192xi1>, vector<256x8192xf32>
    %iota3A = tpu.iota {dimensions = array<i32: 1>} : vector<256x8192xi32>
    %jit3A = arith.constant 0 : i32
    %jit3A_19 = arith.constant 8192 : i32
    %broadcast_in_dim3A_20 = vector.broadcast %jit3A : i32 to vector<256x8192xi32>
    %broadcast_in_dim3A_21 = vector.broadcast %jit3A_19 : i32 to vector<256x8192xi32>
    %select_n3A_22 = arith.select %le3A, %broadcast_in_dim3A_20, %broadcast_in_dim3A_21 : vector<256x8192xi1>, vector<256x8192xi32>
    %add3A_23 = arith.addi %iota3A, %select_n3A_22 : vector<256x8192xi32>
    %max3A = arith.constant 0.000000e+00 : f32
    %max3A_24 = vector.broadcast %max3A : f32 to vector<256x8192xf32>
    %max3A_25 = arith.maximumf %select_n3A, %max3A_24 : vector<256x8192xf32>
    %add3A_26 = arith.constant 9.99999993E-9 : f32
    %add3A_27 = vector.broadcast %add3A_26 : f32 to vector<256x8192xf32>
    %add3A_28 = arith.addf %max3A_25, %add3A_27 : vector<256x8192xf32>
    %sqrt3A = math.sqrt %add3A_28 : vector<256x8192xf32>
    %slice3A_29 = vector.extract_strided_slice %sqrt3A {offsets = [0, 0], sizes = [256, 4096], strides = [1, 1]} : vector<256x8192xf32> to vector<256x4096xf32>
    %slice3A_30 = vector.extract_strided_slice %sqrt3A {offsets = [0, 4096], sizes = [256, 4096], strides = [1, 1]} : vector<256x8192xf32> to vector<256x4096xf32>
    %min3A = arith.minimumf %slice3A_29, %slice3A_30 : vector<256x4096xf32>
    %slice3A_31 = vector.extract_strided_slice %min3A {offsets = [0, 0], sizes = [256, 2048], strides = [1, 1]} : vector<256x4096xf32> to vector<256x2048xf32>
    %slice3A_32 = vector.extract_strided_slice %min3A {offsets = [0, 2048], sizes = [256, 2048], strides = [1, 1]} : vector<256x4096xf32> to vector<256x2048xf32>
    %min3A_33 = arith.minimumf %slice3A_31, %slice3A_32 : vector<256x2048xf32>
    %slice3A_34 = vector.extract_strided_slice %min3A_33 {offsets = [0, 0], sizes = [256, 1024], strides = [1, 1]} : vector<256x2048xf32> to vector<256x1024xf32>
    %slice3A_35 = vector.extract_strided_slice %min3A_33 {offsets = [0, 1024], sizes = [256, 1024], strides = [1, 1]} : vector<256x2048xf32> to vector<256x1024xf32>
    %min3A_36 = arith.minimumf %slice3A_34, %slice3A_35 : vector<256x1024xf32>
    %slice3A_37 = vector.extract_strided_slice %min3A_36 {offsets = [0, 0], sizes = [256, 512], strides = [1, 1]} : vector<256x1024xf32> to vector<256x512xf32>
    %slice3A_38 = vector.extract_strided_slice %min3A_36 {offsets = [0, 512], sizes = [256, 512], strides = [1, 1]} : vector<256x1024xf32> to vector<256x512xf32>
    %min3A_39 = arith.minimumf %slice3A_37, %slice3A_38 : vector<256x512xf32>
    %reduce_min3A = arith.constant dense<0x7F800000> : vector<256xf32>
    %reduce_min3A_40 = vector.multi_reduction <minimumf>, %min3A_39, %reduce_min3A [1] : vector<256x512xf32> to vector<256xf32>
    %broadcast_in_dim3A_41 = vector.shape_cast %reduce_min3A_40 : vector<256xf32> to vector<256x1xf32>
    %eq3A = vector.broadcast %broadcast_in_dim3A_41 : vector<256x1xf32> to vector<256x8192xf32>
    %eq3A_42 = arith.cmpf oeq, %sqrt3A, %eq3A : vector<256x8192xf32>
    %jit3A_43 = arith.constant 16384 : i32
    %broadcast_in_dim3A_44 = vector.broadcast %jit3A_43 : i32 to vector<256x8192xi32>
    %select_n3A_45 = arith.select %eq3A_42, %add3A_23, %broadcast_in_dim3A_44 : vector<256x8192xi1>, vector<256x8192xi32>
    %reduce_min3A_46 = arith.constant dense<2147483647> : vector<256xi32>
    %reduce_min3A_47 = vector.multi_reduction <minsi>, %select_n3A_45, %reduce_min3A_46 [1] : vector<256x8192xi32> to vector<256xi32>
    %broadcast_in_dim3A_48 = vector.shape_cast %reduce_min3A_47 : vector<256xi32> to vector<256x1xi32>
    %swap3A = arith.constant 0 : index
    %swap3A_49 = arith.constant 0 : index
    %swap3A_50 = vector.load %arg5[%swap3A, %swap3A_49] : memref<256x1xi32, #tpu.memory_space<vmem>>, vector<256x1xi32>
    tpu.vector_store %arg5[%swap3A, %swap3A_49], %broadcast_in_dim3A_48 {strides = array<i32>} : memref<256x1xi32, #tpu.memory_space<vmem>>, vector<256x1xi32>,
    %eq3A_51 = vector.broadcast %broadcast_in_dim3A_41 : vector<256x1xf32> to vector<256x512xf32>
    %eq3A_52 = arith.cmpf oeq, %min3A_39, %eq3A_51 : vector<256x512xf32>
    %jit3A_53 = arith.constant 0x7F800000 : f32
    %broadcast_in_dim3A_54 = vector.broadcast %jit3A_53 : f32 to vector<256x512xf32>
    %select_n3A_55 = arith.select %eq3A_52, %broadcast_in_dim3A_54, %min3A_39 : vector<256x512xi1>, vector<256x512xf32>
    %reduce_min3A_56 = arith.constant dense<0x7F800000> : vector<256xf32>
    %reduce_min3A_57 = vector.multi_reduction <minimumf>, %select_n3A_55, %reduce_min3A_56 [1] : vector<256x512xf32> to vector<256xf32>
    %broadcast_in_dim3A_58 = vector.shape_cast %reduce_min3A_57 : vector<256xf32> to vector<256x1xf32>
    %eq3A_59 = vector.broadcast %broadcast_in_dim3A_58 : vector<256x1xf32> to vector<256x512xf32>
    %eq3A_60 = arith.cmpf oeq, %select_n3A_55, %eq3A_59 : vector<256x512xf32>
    %jit3A_61 = arith.constant 0x7F800000 : f32
    %broadcast_in_dim3A_62 = vector.broadcast %jit3A_61 : f32 to vector<256x512xf32>
    %select_n3A_63 = arith.select %eq3A_60, %broadcast_in_dim3A_62, %select_n3A_55 : vector<256x512xi1>, vector<256x512xf32>
    %reduce_min3A_64 = arith.constant dense<0x7F800000> : vector<256xf32>
    %reduce_min3A_65 = vector.multi_reduction <minimumf>, %select_n3A_63, %reduce_min3A_64 [1] : vector<256x512xf32> to vector<256xf32>
    %broadcast_in_dim3A_66 = vector.shape_cast %reduce_min3A_65 : vector<256xf32> to vector<256x1xf32>
    %eq3A_67 = vector.broadcast %broadcast_in_dim3A_66 : vector<256x1xf32> to vector<256x512xf32>
    %eq3A_68 = arith.cmpf oeq, %select_n3A_63, %eq3A_67 : vector<256x512xf32>
    %jit3A_69 = arith.constant 0x7F800000 : f32
    %broadcast_in_dim3A_70 = vector.broadcast %jit3A_69 : f32 to vector<256x512xf32>
    %select_n3A_71 = arith.select %eq3A_68, %broadcast_in_dim3A_70, %select_n3A_63 : vector<256x512xi1>, vector<256x512xf32>
    %reduce_min3A_72 = arith.constant dense<0x7F800000> : vector<256xf32>
    %reduce_min3A_73 = vector.multi_reduction <minimumf>, %select_n3A_71, %reduce_min3A_72 [1] : vector<256x512xf32> to vector<256xf32>
    %broadcast_in_dim3A_74 = vector.shape_cast %reduce_min3A_73 : vector<256xf32> to vector<256x1xf32>
    %eq3A_75 = vector.broadcast %broadcast_in_dim3A_74 : vector<256x1xf32> to vector<256x512xf32>
    %eq3A_76 = arith.cmpf oeq, %select_n3A_71, %eq3A_75 : vector<256x512xf32>
    %jit3A_77 = arith.constant 0x7F800000 : f32
    %broadcast_in_dim3A_78 = vector.broadcast %jit3A_77 : f32 to vector<256x512xf32>
    %select_n3A_79 = arith.select %eq3A_76, %broadcast_in_dim3A_78, %select_n3A_71 : vector<256x512xi1>, vector<256x512xf32>
    %reduce_min3A_80 = arith.constant dense<0x7F800000> : vector<256xf32>
    %reduce_min3A_81 = vector.multi_reduction <minimumf>, %select_n3A_79, %reduce_min3A_80 [1] : vector<256x512xf32> to vector<256xf32>
    %broadcast_in_dim3A_82 = vector.shape_cast %reduce_min3A_81 : vector<256xf32> to vector<256x1xf32>
    %eq3A_83 = vector.broadcast %broadcast_in_dim3A_82 : vector<256x1xf32> to vector<256x512xf32>
    %eq3A_84 = arith.cmpf oeq, %select_n3A_79, %eq3A_83 : vector<256x512xf32>
    %jit3A_85 = arith.constant 0x7F800000 : f32
    %broadcast_in_dim3A_86 = vector.broadcast %jit3A_85 : f32 to vector<256x512xf32>
    %select_n3A_87 = arith.select %eq3A_84, %broadcast_in_dim3A_86, %select_n3A_79 : vector<256x512xi1>, vector<256x512xf32>
    %reduce_min3A_88 = arith.constant dense<0x7F800000> : vector<256xf32>
    %reduce_min3A_89 = vector.multi_reduction <minimumf>, %select_n3A_87, %reduce_min3A_88 [1] : vector<256x512xf32> to vector<256xf32>
    %broadcast_in_dim3A_90 = vector.shape_cast %reduce_min3A_89 : vector<256xf32> to vector<256x1xf32>
    %eq3A_91 = vector.broadcast %broadcast_in_dim3A_90 : vector<256x1xf32> to vector<256x512xf32>
    %eq3A_92 = arith.cmpf oeq, %select_n3A_87, %eq3A_91 : vector<256x512xf32>
    %jit3A_93 = arith.constant 0x7F800000 : f32
    %broadcast_in_dim3A_94 = vector.broadcast %jit3A_93 : f32 to vector<256x512xf32>
    %select_n3A_95 = arith.select %eq3A_92, %broadcast_in_dim3A_94, %select_n3A_87 : vector<256x512xi1>, vector<256x512xf32>
    %reduce_min3A_96 = arith.constant dense<0x7F800000> : vector<256xf32>
    %reduce_min3A_97 = vector.multi_reduction <minimumf>, %select_n3A_95, %reduce_min3A_96 [1] : vector<256x512xf32> to vector<256xf32>
    %broadcast_in_dim3A_98 = vector.shape_cast %reduce_min3A_97 : vector<256xf32> to vector<256x1xf32>
    %eq3A_99 = vector.broadcast %broadcast_in_dim3A_98 : vector<256x1xf32> to vector<256x512xf32>
    %eq3A_100 = arith.cmpf oeq, %select_n3A_95, %eq3A_99 : vector<256x512xf32>
    %jit3A_101 = arith.constant 0x7F800000 : f32
    %broadcast_in_dim3A_102 = vector.broadcast %jit3A_101 : f32 to vector<256x512xf32>
    %select_n3A_103 = arith.select %eq3A_100, %broadcast_in_dim3A_102, %select_n3A_95 : vector<256x512xi1>, vector<256x512xf32>
    %reduce_min3A_104 = arith.constant dense<0x7F800000> : vector<256xf32>
    %reduce_min3A_105 = vector.multi_reduction <minimumf>, %select_n3A_103, %reduce_min3A_104 [1] : vector<256x512xf32> to vector<256xf32>
    %broadcast_in_dim3A_106 = vector.shape_cast %reduce_min3A_105 : vector<256xf32> to vector<256x1xf32>
    %eq3A_107 = vector.broadcast %broadcast_in_dim3A_106 : vector<256x1xf32> to vector<256x512xf32>
    %eq3A_108 = arith.cmpf oeq, %select_n3A_103, %eq3A_107 : vector<256x512xf32>
    %jit3A_109 = arith.constant 0x7F800000 : f32
    %broadcast_in_dim3A_110 = vector.broadcast %jit3A_109 : f32 to vector<256x512xf32>
    %select_n3A_111 = arith.select %eq3A_108, %broadcast_in_dim3A_110, %select_n3A_103 : vector<256x512xi1>, vector<256x512xf32>
    %reduce_min3A_112 = arith.constant dense<0x7F800000> : vector<256xf32>
    %reduce_min3A_113 = vector.multi_reduction <minimumf>, %select_n3A_111, %reduce_min3A_112 [1] : vector<256x512xf32> to vector<256xf32>
    %broadcast_in_dim3A_114 = vector.shape_cast %reduce_min3A_113 : vector<256xf32> to vector<256x1xf32>
    %concatenate3A = tpu.concatenate %broadcast_in_dim3A_41, %broadcast_in_dim3A_58, %broadcast_in_dim3A_66, %broadcast_in_dim3A_74, %broadcast_in_dim3A_82, %broadcast_in_dim3A_90, %broadcast_in_dim3A_98, %broadcast_in_dim3A_106, %broadcast_in_dim3A_114 in 1 : vector<256x1xf32>, vector<256x1xf32>, vector<256x1xf32>, vector<256x1xf32>, vector<256x1xf32>, vector<256x1xf32>, vector<256x1xf32>, vector<256x1xf32>, vector<256x1xf32> -> vector<256x9xf32>
    %swap3A_115 = arith.constant 0 : index
    %swap3A_116 = arith.constant 0 : index
    %swap3A_117 = vector.load %arg4[%swap3A_115, %swap3A_116] : memref<256x9xf32, #tpu.memory_space<vmem>>, vector<256x9xf32>
    tpu.vector_store %arg4[%swap3A_115, %swap3A_116], %concatenate3A {strides = array<i32>} : memref<256x9xf32, #tpu.memory_space<vmem>>, vector<256x9xf32>,
    %slice3A_118 = vector.extract_strided_slice %concatenate3A {offsets = [0, 0], sizes = [256, 1], strides = [1, 1]} : vector<256x9xf32> to vector<256x1xf32>
    %add3A_119 = arith.constant 9.99999993E-9 : f32
    %add3A_120 = vector.broadcast %add3A_119 : f32 to vector<256x1xf32>
    %add3A_121 = arith.addf %slice3A_118, %add3A_120 : vector<256x1xf32>
    %broadcast_in_dim3A_122 = vector.shape_cast %add3A_121 : vector<256x1xf32> to vector<256x1xf32>
    %broadcast_in_dim3A_123 = vector.broadcast %broadcast_in_dim3A_122 : vector<256x1xf32> to vector<256x16xf32>
    %swap3A_124 = arith.constant 0 : index
    %swap3A_125 = arith.constant 0 : index
    %swap3A_126 = vector.load %arg6[%swap3A_124, %swap3A_125] : memref<256x16xf32, #tpu.memory_space<vmem>>, vector<256x16xf32>
    tpu.vector_store %arg6[%swap3A_124, %swap3A_125], %broadcast_in_dim3A_123 {strides = array<i32>} : memref<256x16xf32, #tpu.memory_space<vmem>>, vector<256x16xf32>,
    return
  }
  func.func @transform_0(%arg0: i32) -> (i32, i32) {
    %c0_i32 = arith.constant 0 : i32
    %c0_i32_0 = arith.constant 0 : i32
    return %arg0, %c0_i32 : i32, i32
  }
  func.func @transform_1(%arg0: i32) -> (i32, i32) {
    %c0_i32 = arith.constant 0 : i32
    %c0_i32_0 = arith.constant 0 : i32
    %c0_i32_1 = arith.constant 0 : i32
    return %c0_i32, %c0_i32_0 : i32, i32
  }
  func.func @transform_2(%arg0: i32) -> (i32, i32) {
    %c0_i32 = arith.constant 0 : i32
    %c0_i32_0 = arith.constant 0 : i32
    %c0_i32_1 = arith.constant 0 : i32
    return %c0_i32, %c0_i32_0 : i32, i32
  }
  func.func @transform_3(%arg0: i32) -> (i32, i32) {
    %c0_i32 = arith.constant 0 : i32
    %c0_i32_0 = arith.constant 0 : i32
    return %arg0, %c0_i32 : i32, i32
  }
  func.func @transform_4(%arg0: i32) -> (i32, i32) {
    %c0_i32 = arith.constant 0 : i32
    %c0_i32_0 = arith.constant 0 : i32
    return %arg0, %c0_i32 : i32, i32
  }
  func.func @transform_5(%arg0: i32) -> (i32, i32) {
    %c0_i32 = arith.constant 0 : i32
    %c0_i32_0 = arith.constant 0 : i32
    return %arg0, %c0_i32 : i32, i32
  }
}

module attributes {stable_mosaic.version = 14 : i64} {
  func.func @_prep_body(%arg0: memref<16384x256xf32, #tpu.memory_space<vmem>>, %arg1: memref<1x16384xf32, #tpu.memory_space<vmem>>, %arg2: memref<16384x256xbf16, #tpu.memory_space<vmem>>) attributes {dimension_semantics = [], scalar_prefetch = 0 : i64, scratch_operands = 0 : i64, tpu.core_type = #tpu.core_type<tc>} {
    %get3A = arith.constant 0 : index
    %get3A_0 = arith.constant 0 : index
    %get3A_1 = vector.load %arg0[%get3A, %get3A_0] : memref<16384x256xf32, #tpu.memory_space<vmem>>, vector<16384x256xf32>
    %broadcast_in_dim3A = arith.constant 1.000000e+00 : f32
    %broadcast_in_dim3A_2 = vector.broadcast %broadcast_in_dim3A : f32 to vector<1x256xf32>
    %mul3A = arith.mulf %get3A_1, %get3A_1 : vector<16384x256xf32>
    %dot_general3A = arith.constant dense<0.000000e+00> : vector<1x16384xf32>
    %dot_general3A_3 = tpu.matmul %broadcast_in_dim3A_2, %mul3A, %dot_general3A {dimension_numbers = #tpu.dot_dimension_numbers<[1], [1], [0], [0], [0, 0, 1, 0], [], []>, precision = #tpu.contract_precision<fp32>, transpose_lhs_hint = false} : vector<1x256xf32>, vector<16384x256xf32>, vector<1x16384xf32> -> vector<1x16384xf32>
    %swap3A = arith.constant 0 : index
    %swap3A_4 = arith.constant 0 : index
    %swap3A_5 = vector.load %arg1[%swap3A, %swap3A_4] : memref<1x16384xf32, #tpu.memory_space<vmem>>, vector<1x16384xf32>
    tpu.vector_store %arg1[%swap3A, %swap3A_4], %dot_general3A_3 {strides = array<i32>} : memref<1x16384xf32, #tpu.memory_space<vmem>>, vector<1x16384xf32>,
    %convert_element_type3A = arith.truncf %get3A_1 : vector<16384x256xf32> to vector<16384x256xbf16>
    %swap3A_6 = arith.constant 0 : index
    %swap3A_7 = arith.constant 0 : index
    %swap3A_8 = vector.load %arg2[%swap3A_6, %swap3A_7] : memref<16384x256xbf16, #tpu.memory_space<vmem>>, vector<16384x256xbf16>
    tpu.vector_store %arg2[%swap3A_6, %swap3A_7], %convert_element_type3A {strides = array<i32>} : memref<16384x256xbf16, #tpu.memory_space<vmem>>, vector<16384x256xbf16>,
    return
  }
}

</mosaic_0001>

<sc_bundles>
// kernel: kernel.5.cloned.1.call-start
scs
__scs_entry_jumppad:
0x0: {  	(pc) =	sbr.rel $0x88, $3  }
0x1: {  	(tag) =	ssettag $0x0;
	lr =	simm.s32 $0x1  }
0x2: {  	[smem:$0x3F9F] =	sst lr;
	_ =	strace $0xD0000000  }
0x3: {  	_ = 	snop  }
0x4: {  	_ = 	snop  }
0x5: {  	_ = 	snop  }
0x6: {  	_ = 	snop  }
0x7: {  	_ = 	snop  }
__scs_overlays_trampoline_lowered:
0x8: {  	[smem:$0x3FAE] =	sst s0  }
0x9: {  	[smem:$0x3FAF] =	sst s1  }
0xa: {  	[smem:$0x3FB0] =	sst s2  }
0xb: {  	[smem:$0x3FB1] =	sst s3  }
0xc: {  	[smem:$0x3FB2] =	sst s4  }
0xd: {  	[smem:$0x3FB3] =	sst s5  }
0xe: {  	[smem:$0x3FB4] =	sst s6  }
0xf: {  	[smem:$0x3FB5] =	sst s7  }
0x10: {  	[smem:$0x3FB6] =	sst s8  }
0x11: {  	[smem:$0x3FB7] =	sst s9;
	s0 =	simm.s32 @!p0 $0x0  }
0x12: {  	s1 =	sld [smem:$0x3F9D];
	s0 =	simm.s32 @p0 $0x1  }
0x13: {  	[smem:$0x3FB8] =	sst s0;
	s0 =	simm.s32 @!p1 $0x0  }
0x14: {  	s2 =	sld [smem:$0x3F9C];
	s0 =	simm.s32 @p1 $0x1  }
0x15: {  	[smem:$0x3FB9] =	sst s0;
	s0 =	simm.s32 @!p2 $0x0  }
0x16: {  	s3 =	sld [smem:$0x3FDB];
	s0 =	simm.s32 @p2 $0x1  }
0x17: {  	s4 =	simm.s32 $0x1BF5;
	[smem:$0x3FBB] =	sst s0  }
0x18: {  	s0 =	sld [smem:$0x3F9E];
	_ =	swait.ge [sflag:s4], $0x0  }
0x19: {  	s7 =	sld [smem:$0x3F9F]  }
0x1a: {  	s8 =	sadd.s32 $0xFFFFE003, lr  }
0x1b: {  	s9 =	sadd.s32 $0xFFFFFEF7, lr;
	s5 =	simm.s32 $0xFFFFFFFF;
	p2 =	slt.u32 s8, $0xFFFFF086  }
0x1c: {  	p1 =	slt.u32 s9, $0xF7A;
	s5 =	simm.s32 @!p2 $0x0  }
0x1d: {  	s5 =	simm.s32 @p1 $0x1;
	p0 =	seq.s32 s7, s2  }
0x1e: {  	s7 =	smul.u32 @!p0 $0xF7A, s2;
	p2 =	seq.s32 @!p0 s5, $0x0  }
0x1f: {  	s9 =	smul.u32 $0xF7A, s1;
	s8 =	simm.s32 @!p0 $0x1BF5;
	p2 =	por !p2, p0  }
0x20: {  	[sflag:s8] =	ssyncset.s32 @!p0 $0xFFFFF086;
	s6 =	sadd.s32 @!p0 s3, s7;
	s7 =	simm.s32 @!p0 $0x108  }
0x21: {  	s3 =	sadd.s32 s3, s9;
	s6 =	sadd.s32 @!p0 $0x88, s6;
	s7 =	simm.s32 @p2 $0x1082  }
0x22: {  	[simem:s7], [sflag:s8] =	dma.local @!p0 [hbm:s6], $0xF7A  }
0x23: {  	s9 =	sor.u32 $0xD0000000, s2;
	s6 =	simm.s32 $0x108;
	_ =	swait.ge @!p0 [sflag:s8], $0x0  }
0x24: {  	s3 =	sadd.s32 $0x88, s3;
	s6 =	simm.s32 @!p1 $0x1082;
	[sflag:s4] =	ssyncset.s32 $0xFFFFF086  }
0x25: {  	[simem:s6], [sflag:s4] =	dma.local [hbm:s3], $0xF7A  }
0x26: {  	[smem:$0x3F9F] =	sst s1;
	(tag) =	ssettag s2;
	_ =	strace s9  }
0x27: {  	s1 =	sld [smem:$0x3FAF]  }
0x28: {  	s2 =	sld [smem:$0x3FB0]  }
0x29: {  	s4 =	sld [smem:$0x3FB2]  }
0x2a: {  	p0 =	seq.s32 s5, $0x0;
	s5 =	sld [smem:$0x3FB3]  }
0x2b: {  	s6 =	sld [smem:$0x3FB4]  }
0x2c: {  	s7 =	sld [smem:$0x3FB5]  }
0x2d: {  	s3 =	simm.s32 $0x108;
	s8 =	sld [smem:$0x3FB6]  }
0x2e: {  	s3 =	simm.s32 @!p0 $0x1082;
	s9 =	sld [smem:$0x3FB7]  }
0x2f: {  	lr =	sadd.s32 s0, s3;
	s0 =	sld [smem:$0x3FAE]  }
0x30: {  	s3 =	sld [smem:$0x3FB1]  }
0x31: {  	[smem:$0x3FBA] =	sst s10  }
0x32: {  	s10 =	sld [smem:$0x3FB8];
	_ =	sdelay $0x3  }
0x33: {  	p0 =	seq.s32 s10, $0x1;
	s10 =	sld [smem:$0x3FBA];
	_ =	sdelay $0x3  }
0x34: {  	[smem:$0x3FBA] =	sst s10  }
0x35: {  	s10 =	sld [smem:$0x3FB9];
	_ =	sdelay $0x3  }
0x36: {  	p1 =	seq.s32 s10, $0x1;
	s10 =	sld [smem:$0x3FBA];
	_ =	sdelay $0x3  }
0x37: {  	[smem:$0x3FBA] =	sst s10  }
0x38: {  	s10 =	sld [smem:$0x3FBB]  }
0x39: {  	_ = 	snop;
	(pc) =	sbr.ind lr, $3  }
0x3a: {  	_ = 	snop  }
0x3b: {  	_ = 	snop  }
0x3c: {  	p2 =	seq.s32 s10, $0x1;
	s10 =	sld [smem:$0x3FBA]  }
0x3d: {  	_ =	shalt  }
0x3e: {  	_ =	shalt  }
0x3f: {  	_ =	shalt  }
0x40: {  	_ =	shalt  }
0x41: {  	_ =	shalt  }
0x42: {  	_ =	shalt  }
0x43: {  	_ =	shalt  }
0x44: {  	_ =	shalt  }
0x45: {  	_ =	shalt  }
0x46: {  	_ =	shalt  }
0x47: {  	_ =	shalt  }
0x48: {  	_ =	shalt  }
0x49: {  	_ =	shalt  }
0x4a: {  	_ =	shalt  }
0x4b: {  	_ =	shalt  }
0x4c: {  	_ =	shalt  }
0x4d: {  	_ =	shalt  }
0x4e: {  	_ =	shalt  }
0x4f: {  	_ =	shalt  }
0x50: {  	_ =	shalt  }
0x51: {  	_ =	shalt  }
0x52: {  	_ =	shalt  }
0x53: {  	_ =	shalt  }
0x54: {  	_ =	shalt  }
0x55: {  	_ =	shalt  }
0x56: {  	_ =	shalt  }
0x57: {  	_ =	shalt  }
0x58: {  	_ =	shalt  }
0x59: {  	_ =	shalt  }
0x5a: {  	_ =	shalt  }
0x5b: {  	_ =	shalt  }
0x5c: {  	_ =	shalt  }
0x5d: {  	_ =	shalt  }
0x5e: {  	_ =	shalt  }
0x5f: {  	_ =	shalt  }
0x60: {  	_ =	shalt  }
0x61: {  	_ =	shalt  }
0x62: {  	_ =	shalt  }
0x63: {  	_ =	shalt  }
0x64: {  	_ =	shalt  }
0x65: {  	_ =	shalt  }
0x66: {  	_ =	shalt  }
0x67: {  	_ =	shalt  }
0x68: {  	_ =	shalt  }
0x69: {  	_ =	shalt  }
0x6a: {  	_ =	shalt  }
0x6b: {  	_ =	shalt  }
0x6c: {  	_ =	shalt  }
0x6d: {  	_ =	shalt  }
0x6e: {  	_ =	shalt  }
0x6f: {  	_ =	shalt  }
0x70: {  	_ =	shalt  }
0x71: {  	_ =	shalt  }
0x72: {  	_ =	shalt  }
0x73: {  	_ =	shalt  }
0x74: {  	_ =	shalt  }
0x75: {  	_ =	shalt  }
0x76: {  	_ =	shalt  }
0x77: {  	_ =	shalt  }
0x78: {  	_ =	shalt  }
0x79: {  	_ =	shalt  }
0x7a: {  	_ =	shalt  }
0x7b: {  	_ =	shalt  }
0x7c: {  	_ =	shalt  }
0x7d: {  	_ =	shalt  }
0x7e: {  	_ =	shalt  }
0x7f: {  	_ =	shalt  }
0x80: {  	_ =	shalt  }
0x81: {  	_ =	shalt  }
0x82: {  	_ =	shalt  }
0x83: {  	_ =	shalt  }
0x84: {  	_ =	shalt  }
0x85: {  	_ =	shalt  }
0x86: {  	_ =	shalt  }
0x87: {  	_ =	shalt  }
.Lfunc_end0:
.L_simem_size_0:
called_computation_lowered:
.L_overlay_start_0:
0x88: {  	s2 =	sld [smem:$0x3FD9]  }
0x89: {  	s3 =	sld [smem:$0x3FFE];
	_ =	sdelay $0x1  }
0x8a: {  	s1 =	srdreg.scid  }
0x8b: {  	s0 =	sand.u32 $0x1, s1  }
0x8c: {  	s14 =	sshll.u32 s0, $0xA;
	s2 =	sadd.s32 s3, s2  }
0x8d: {  	s2 =	sadd.s32 s2, s14  }
0x8e: {  	[smem:$0x3FC6] =	sst s2  }
0x8f: {  	_ = 	snop  }
0x90: {  	s2 =	sld [smem:$0x3FD0];
	_ =	sdelay $0x1  }
0x91: {  	s15 =	sld [smem:$0x3FC9]  }
0x92: {  	s5 =	simm.s32 $0xA;
	s6 =	simm.s32 $0x10;
	s4 =	sld [smem:$0x3FC8]  }
0x93: {  	[smem:s6], [sflag:s5] =	dma.local [hbm:s2], $0x1  }
0x94: {  	_ =	swait.eq [sflag:s5], $0x1  }
0x95: {  	[sflag:s5] =	ssyncset.done $0x0  }
0x96: {  	[sflag:s5] =	ssyncadd.s32 $0xFFFFFFFF  }
0x97: {  	s16 =	sld [smem:$0x10];
	(tm) =	ssettm $0x1  }
0x98: {  	s17 =	sld [smem:$0x3FFB];
	_ =	sdelay $0x3  }
0x99: {  	_ =	strace s17  }
0x9a: {  	s5 =	sld [smem:$0x3FFC];
	_ =	sdelay $0x3  }
0x9b: {  	_ =	strace s5  }
0x9c: {  	s5 =	sld [smem:$0x3FFD];
	_ =	sdelay $0x3  }
0x9d: {  	_ =	strace s5  }
0x9e: {  	_ =	strace $0x8FFFFFFF  }
0x9f: {  	s18 =	sld [smem:$0x3FDB];
	_ =	sdelay $0x1  }
0xa0: {  	s19 =	simm.s32 $_scs_section_size  }
0xa1: {  	s7 =	simm.s32 $_size__tile_overlayer_lowered;
	s8 =	simm.s32 $_tile_overlayer_lowered  }
0xa2: {  	s22 =	simm.s32 $0x1BFF;
	s21 =	sshll.u32 s8, $0x1;
	s5 =	sadd.s32 s19, s18  }
0xa3: {  	s9 =	simm.s32 $0x0;
	s20 =	sshll.u32 s7, $0x1;
	s7 =	sadd.s32 s21, s5  }
0xa4: {  	[timem:s9], [sflag:s22] =	dma.local [hbm:s7], s20  }
0xa5: {  	_ =	swait.ge [sflag:s22], s20  }
0xa6: {  	s6 =	ssub.s32 $0x0, s20;
	[sflag:s22] =	ssyncset.done $0x0  }
0xa7: {  	[sflag:s22] =	ssyncadd.s32 s6;
	_ =	sdelay $0x1  }
0xa8: {  	s23 =	simm.s32 $0x1B8B  }
0xa9: {  	_ =	swait.ge [sflag:s23], $0x1  }
0xaa: {  	[sflag:s23] =	ssyncset.done $0x0  }
0xab: {  	s25 =	simm.s32 $0x1B8E;
	s24 =	sld [smem:$0x3FFE];
	[sflag:s23] =	ssyncadd.s32 $0xFFFFFFFF  }
0xac: {  	s26 =	simm.s32 $execute0_lowered;
	[smem:$0x3FD2] =	sst s25  }
0xad: {  	s7 =	sshll.u32 s26, $0x1;
	_ =	strace $0x80000046;
	[dreg:$0x1] =	wrdreg $0xFFFFFFFF  }
0xae: {  	s28 =	simm.s32 $_size_execute0_lowered;
	s5 =	sadd.s32 s5, s7;
	[dreg:$0x0] =	wrdreg $0x0  }
0xaf: {  	s7 =	sshll.u32 s28, $0x1;
	[dreg:$0x2] =	wrdreg s5  }
0xb0: {  	[dreg:$0x3] =	wrdreg s7  }
0xb1: {  	[dreg:$0x4] =	wrdreg $0xC0  }
0xb2: {  	_ =	task [dreg:s9], $0x5FFFF  }
0xb3: {  	[dreg:$0x1] =	wrdreg $0xFFFFFFFF  }
0xb4: {  	[dreg:$0x0] =	wrdreg $0x60  }
0xb5: {  	[dreg:$0x2] =	wrdreg s4  }
0xb6: {  	[dreg:$0x3] =	wrdreg s24  }
0xb7: {  	[dreg:$0x4] =	wrdreg s15  }
0xb8: {  	[dreg:$0x5] =	wrdreg s16  }
0xb9: {  	[dreg:$0x6] =	wrdreg $0x9  }
0xba: {  	_ =	task.clear_ibuf [dreg:s9], $0x7FFFF;
	_ =	strace $0x90000046  }
0xbb: {  	s29 =	simm.s32 $0x9;
	_ =	strace $0x80000048  }
0xbc: {  	_ =	swait.ge [sflag:s29], $0x1  }
0xbd: {  	[sflag:s29] =	ssyncadd.s32 $0xFFFFFFFF  }
0xbe: {  	_ =	strace $0x90000048  }
0xbf: {  	_ =	sfence  }
0xc0: {  	s30 =	sld [smem:$0x0];
	_ =	sdelay $0x2  }
0xc1: {  	s31 =	sshll.u32 s1, $0xD;
	s1 =	sshrl.u32 s1, $0x2  }
0xc2: {  	s3 =	sand.u32 $0x4000, s31;
	s1 =	sadd.s32 s1, s30  }
0xc3: {  	s0 =	sor.u32 s3, s0;
	s1 =	sshll.u32 s1, $0x11  }
0xc4: {  	s0 =	sor.u32 s1, s0  }
0xc5: {  	s0 =	sadd.s32 $0x8F2B, s0  }
0xc6: {  	[sflag:s0] =	ssyncadd.remote.s32 $0x1  }
0xc7: {  	_ =	sfence.sel $0xFFFF  }
0xc8: {  	[dreg:$0x0] =	wrdreg $0xFFFFFFFF;
	(pc) =	sbr.abs _section_cstart, $3  }
0xc9: {  	[dreg:$0x1] =	wrdreg $0xFFFFFFFF  }
0xca: {  	_ =	task.clear_ibuf [dreg:s9], $0x2FFFF;
	_ =	strace $0x9FFFFFFF  }
0xcb: {  	(tm) =	ssettm $0x7FFFFFFF  }
tec
execute0_lowered:
.L_overlay_start_1:
0x0: {  	(tag) =	ssettag $0x1  }
0x1: {  	s1 =	rddreg [dreg:$0x0]  }
0x2: {  	s0 =	rddreg [dreg:$0x1]  }
0x3: {  	s2 =	rddreg [dreg:$0x2]  }
0x4: {  	s7 =	rddreg [dreg:$0x3];
	s3 =	srdreg.scid  }
0x5: {  	s5 =	stileid.u32;
	s13 =	simm.s32 $0x1880;
	s14 =	simm.s32 $0x2080  }
0x6: {  	s15 =	simm.s32 $0x2880;
	s16 =	simm.s32 $0x3080;
	s17 =	simm.s32 $0x3880  }
0x7: {  	s18 =	simm.s32 $0x4080;
	s19 =	simm.s32 $0x4880;
	s20 =	simm.s32 $0x5080  }
0x8: {  	s21 =	simm.s32 $0x5880;
	s22 =	simm.s32 $0x6080;
	s23 =	simm.s32 $0x6880  }
0x9: {  	s24 =	simm.s32 $0x7080;
	s25 =	simm.s32 $0x7880;
	s26 =	simm.s32 $0x1  }
0xa: {  	s28 =	simm.s32 $0x8080;
	s29 =	simm.s32 $0x14080;
	s30 =	simm.s32 $0x0  }
0xb: {  	s4 =	sand.u32 $0x1, s3;
	s3 =	simm.s32 $0x0;
	s5 =	sshll.u32 s5, $0x8  }
0xc: {  	s6 =	sshll.u32 s4, $0x7;
	[smem:$0x7FF] =	sst s3;
	s4 =	ssub.s32 $0x2, s4  }
0xd: {  	s5 =	sor.u32 s6, s5;
	_ =	strace $0x80000047;
	s31 =	sshrl.u32 s4, $0x1  }
0xe: {  	s6 =	sshrl.u32 s5, $0x3;
	s8 =	sshll.u32 s5, $0x4;
	s9 =	sshll.u32 s5, $0x5  }
0xf: {  	v2 =	vlaneseq.u32;
	s6 =	sadd.s32 s6, s0;
	s0 =	sadd.s32 s8, s0;
	s8 =	ssub.s32 s4, s31  }
0x10: {  	vm0 =	vmmov $0xffff;
	v1 =	vshrl.u32 v2, $0x3;
	s5 =	sadd.s32 s2, s9;
	s7 =	sadd.s32 s7, s9;
	s9 =	simm.s32 $0x2  }
0x11: {  	v0 =	vand.u32 $0x7, v2;
	v2 =	vor.u32 $0x8, v2;
	v1 =	vmul.u32 $0x8, v1;
	s4 =	sadd.s32 $0x10800, s6;
	s6 =	sadd.s32 $0x800, s0;
	s8 =	smax.u32 s8, $0x1  }
.LBB2_1:
0x12: {  	[tilespmem:s3], [sflag:$0x2] =	stream.linear.gather [hbm4b:s4+s3], $0x80, $0x38;
	[tilespmem:$0x1C080] =	vst v63  }
0x13: {  	_ =	swait.ge [sflag:s9], $0x80  }
0x14: {  	[sflag:s9] =	ssyncset.done $0x0  }
0x15: {  	[sflag:s9] =	ssyncadd.s32 $0xFFFFFF80  }
0x16: {  	v3 =	vld [tilespmem:$0x0];
	_ =	sdelay $0x4  }
0x17: {  	v4 =	vshll.u32 v3, $0x1  }
0x18: {  	v3 =	vand.u32 $0x7, v3;
	v4 =	vand.u32 $0xFFFFFFF0, v4  }
0x19: {  	v3 =	vor.u32 v3, v4  }
0x1a: {  	v4 =	vperm.xlane v3, v0;
	_ =	sdelay $0x1  }
0x1b: {  	v3 =	vperm.xlane v3, v2;
	v4 =	vadd.s32 v1, v4;
	_ =	sdelay $0x1  }
0x1c: {  	v3 =	vadd.s32 v1, v3;
	_ =	sdelay $0x1  }
0x1d: {  	s0 =	simm.s32 $0x80  }
0x1e: {  	[tilespmem:s0], [sflag:$0x1] =	stream.indirect_vreg.gather [hbm4b:s1+s3], $0x80, v4, vm0, $0xb8;
	[tilespmem:$0x1C080] =	vst v63  }
0x1f: {  	s11 =	simm.s32 $0x880  }
0x20: {  	[tilespmem:s11], [sflag:$0x1] =	stream.indirect_vreg.gather [hbm4b:s1+s3], $0x80, v3, vm0, $0xb8;
	[tilespmem:$0x1C080] =	vst v63  }
0x21: {  	v3 =	vld [tilespmem:$0x10];
	_ =	sdelay $0x4  }
0x22: {  	v4 =	vshll.u32 v3, $0x1  }
0x23: {  	v3 =	vand.u32 $0x7, v3;
	v4 =	vand.u32 $0xFFFFFFF0, v4  }
0x24: {  	v3 =	vor.u32 v3, v4  }
0x25: {  	v4 =	vperm.xlane v3, v0;
	_ =	sdelay $0x1  }
0x26: {  	v3 =	vperm.xlane v3, v2;
	v4 =	vadd.s32 v1, v4;
	_ =	sdelay $0x1  }
0x27: {  	v3 =	vadd.s32 v1, v3;
	_ =	sdelay $0x1  }
0x28: {  	s12 =	simm.s32 $0x1080  }
0x29: {  	[tilespmem:s12], [sflag:$0x1] =	stream.indirect_vreg.gather [hbm4b:s1+s3], $0x80, v4, vm0, $0xb8;
	[tilespmem:$0x1C080] =	vst v63  }
0x2a: {  	_ = 	snop  }
0x2b: {  	[tilespmem:s13], [sflag:$0x1] =	stream.indirect_vreg.gather [hbm4b:s1+s3], $0x80, v3, vm0, $0xb8;
	[tilespmem:$0x1C080] =	vst v63  }
0x2c: {  	v3 =	vld [tilespmem:$0x20];
	_ =	sdelay $0x4  }
0x2d: {  	v4 =	vshll.u32 v3, $0x1  }
0x2e: {  	v3 =	vand.u32 $0x7, v3;
	v4 =	vand.u32 $0xFFFFFFF0, v4  }
0x2f: {  	v3 =	vor.u32 v3, v4  }
0x30: {  	v4 =	vperm.xlane v3, v0;
	_ =	sdelay $0x1  }
0x31: {  	v3 =	vperm.xlane v3, v2;
	v4 =	vadd.s32 v1, v4;
	_ =	sdelay $0x1  }
0x32: {  	v3 =	vadd.s32 v1, v3;
	_ =	sdelay $0x2  }
0x33: {  	[tilespmem:s14], [sflag:$0x1] =	stream.indirect_vreg.gather [hbm4b:s1+s3], $0x80, v4, vm0, $0xb8;
	[tilespmem:$0x1C080] =	vst v63  }
0x34: {  	_ = 	snop  }
0x35: {  	[tilespmem:s15], [sflag:$0x1] =	stream.indirect_vreg.gather [hbm4b:s1+s3], $0x80, v3, vm0, $0xb8;
	[tilespmem:$0x1C080] =	vst v63  }
0x36: {  	v3 =	vld [tilespmem:$0x30];
	_ =	sdelay $0x4  }
0x37: {  	v4 =	vshll.u32 v3, $0x1  }
0x38: {  	v3 =	vand.u32 $0x7, v3;
	v4 =	vand.u32 $0xFFFFFFF0, v4  }
0x39: {  	v3 =	vor.u32 v3, v4  }
0x3a: {  	v4 =	vperm.xlane v3, v0;
	_ =	sdelay $0x1  }
0x3b: {  	v3 =	vperm.xlane v3, v2;
	v4 =	vadd.s32 v1, v4;
	_ =	sdelay $0x1  }
0x3c: {  	v3 =	vadd.s32 v1, v3;
	_ =	sdelay $0x2  }
0x3d: {  	[tilespmem:s16], [sflag:$0x1] =	stream.indirect_vreg.gather [hbm4b:s1+s3], $0x80, v4, vm0, $0xb8;
	[tilespmem:$0x1C080] =	vst v63  }
0x3e: {  	_ = 	snop  }
0x3f: {  	[tilespmem:s17], [sflag:$0x1] =	stream.indirect_vreg.gather [hbm4b:s1+s3], $0x80, v3, vm0, $0xb8;
	[tilespmem:$0x1C080] =	vst v63  }
0x40: {  	v3 =	vld [tilespmem:$0x40];
	_ =	sdelay $0x4  }
0x41: {  	v4 =	vshll.u32 v3, $0x1  }
0x42: {  	v3 =	vand.u32 $0x7, v3;
	v4 =	vand.u32 $0xFFFFFFF0, v4  }
0x43: {  	v3 =	vor.u32 v3, v4  }
0x44: {  	v4 =	vperm.xlane v3, v0;
	_ =	sdelay $0x1  }
0x45: {  	v3 =	vperm.xlane v3, v2;
	v4 =	vadd.s32 v1, v4;
	_ =	sdelay $0x1  }
0x46: {  	v3 =	vadd.s32 v1, v3;
	_ =	sdelay $0x2  }
0x47: {  	[tilespmem:s18], [sflag:$0x1] =	stream.indirect_vreg.gather [hbm4b:s1+s3], $0x80, v4, vm0, $0xb8;
	[tilespmem:$0x1C080] =	vst v63  }
0x48: {  	_ = 	snop  }
0x49: {  	[tilespmem:s19], [sflag:$0x1] =	stream.indirect_vreg.gather [hbm4b:s1+s3], $0x80, v3, vm0, $0xb8;
	[tilespmem:$0x1C080] =	vst v63  }
0x4a: {  	v3 =	vld [tilespmem:$0x50];
	_ =	sdelay $0x4  }
0x4b: {  	v4 =	vshll.u32 v3, $0x1  }
0x4c: {  	v3 =	vand.u32 $0x7, v3;
	v4 =	vand.u32 $0xFFFFFFF0, v4  }
0x4d: {  	v3 =	vor.u32 v3, v4  }
0x4e: {  	v4 =	vperm.xlane v3, v0;
	_ =	sdelay $0x1  }
0x4f: {  	v3 =	vperm.xlane v3, v2;
	v4 =	vadd.s32 v1, v4;
	_ =	sdelay $0x1  }
0x50: {  	v3 =	vadd.s32 v1, v3;
	_ =	sdelay $0x2  }
0x51: {  	[tilespmem:s20], [sflag:$0x1] =	stream.indirect_vreg.gather [hbm4b:s1+s3], $0x80, v4, vm0, $0xb8;
	[tilespmem:$0x1C080] =	vst v63  }
0x52: {  	_ = 	snop  }
0x53: {  	[tilespmem:s21], [sflag:$0x1] =	stream.indirect_vreg.gather [hbm4b:s1+s3], $0x80, v3, vm0, $0xb8;
	[tilespmem:$0x1C080] =	vst v63  }
0x54: {  	v3 =	vld [tilespmem:$0x60];
	_ =	sdelay $0x4  }
0x55: {  	v4 =	vshll.u32 v3, $0x1  }
0x56: {  	v3 =	vand.u32 $0x7, v3;
	v4 =	vand.u32 $0xFFFFFFF0, v4  }
0x57: {  	v3 =	vor.u32 v3, v4  }
0x58: {  	v4 =	vperm.xlane v3, v0;
	_ =	sdelay $0x1  }
0x59: {  	v3 =	vperm.xlane v3, v2;
	v4 =	vadd.s32 v1, v4;
	_ =	sdelay $0x1  }
0x5a: {  	v3 =	vadd.s32 v1, v3;
	_ =	sdelay $0x2  }
0x5b: {  	[tilespmem:s22], [sflag:$0x1] =	stream.indirect_vreg.gather [hbm4b:s1+s3], $0x80, v4, vm0, $0xb8;
	[tilespmem:$0x1C080] =	vst v63  }
0x5c: {  	_ = 	snop  }
0x5d: {  	[tilespmem:s23], [sflag:$0x1] =	stream.indirect_vreg.gather [hbm4b:s1+s3], $0x80, v3, vm0, $0xb8;
	[tilespmem:$0x1C080] =	vst v63  }
0x5e: {  	v3 =	vld [tilespmem:$0x70];
	_ =	sdelay $0x4  }
0x5f: {  	v4 =	vshll.u32 v3, $0x1  }
0x60: {  	v3 =	vand.u32 $0x7, v3;
	v4 =	vand.u32 $0xFFFFFFF0, v4  }
0x61: {  	v3 =	vor.u32 v3, v4  }
0x62: {  	v4 =	vperm.xlane v3, v0;
	_ =	sdelay $0x1  }
0x63: {  	v3 =	vperm.xlane v3, v2;
	v4 =	vadd.s32 v1, v4;
	_ =	sdelay $0x1  }
0x64: {  	v3 =	vadd.s32 v1, v3;
	_ =	sdelay $0x2  }
0x65: {  	[tilespmem:s24], [sflag:$0x1] =	stream.indirect_vreg.gather [hbm4b:s1+s3], $0x80, v4, vm0, $0xb8;
	[tilespmem:$0x1C080] =	vst v63  }
0x66: {  	_ = 	snop  }
0x67: {  	[tilespmem:s25], [sflag:$0x1] =	stream.indirect_vreg.gather [hbm4b:s1+s3], $0x80, v3, vm0, $0xb8;
	[tilespmem:$0x1C080] =	vst v63  }
0x68: {  	_ =	swait.ge [sflag:s26], $0x8000  }
0x69: {  	[sflag:s26] =	ssyncset.done $0x0  }
0x6a: {  	[sflag:s26] =	ssyncadd.s32 $0xFFFF8000  }
0x6b: {  	[tilespmem:s28], [sflag:$0x2] =	stream.linear.gather [hbm4b:s5+s3], $0x8000, $0x38;
	[tilespmem:$0x1C080] =	vst v63  }
0x6c: {  	_ =	swait.ge [sflag:s9], $0x8000  }
0x6d: {  	[sflag:s9] =	ssyncset.done $0x0  }
0x6e: {  	s0 =	simm.s32 $0x10080;
	[sflag:s9] =	ssyncadd.s32 $0xFFFF8000  }
0x6f: {  	[tilespmem:s0], [sflag:$0x2] =	stream.linear.gather [hbm4b:s6+s3], $0x4000, $0x38;
	[tilespmem:$0x1C080] =	vst v63  }
0x70: {  	_ =	swait.ge [sflag:s9], $0x4000  }
0x71: {  	s2 =	sand.u32 $0x7800, s3;
	s10 =	sand.u32 $0x380, s3;
	[sflag:s9] =	ssyncset.done $0x0  }
0x72: {  	s31 =	sor.u32 s10, s2;
	[sflag:s9] =	ssyncadd.s32 $0xFFFFC000  }
0x73: {  	v3 =	vld [tilespmem:s31+$0x8080]  }
0x74: {  	v4 =	vld [tilespmem:s31+$0x80]  }
0x75: {  	v5 =	vld [tilespmem:s31+$0x8090]  }
0x76: {  	v6 =	vld [tilespmem:s31+$0x90]  }
0x77: {  	v7 =	vld [tilespmem:s31+$0x80A0]  }
0x78: {  	v8 =	vld [tilespmem:s31+$0xA0]  }
0x79: {  	v9 =	vld [tilespmem:s31+$0x80B0]  }
0x7a: {  	v10 =	vld [tilespmem:s31+$0xB0]  }
0x7b: {  	v11 =	vld [tilespmem:s31+$0x80C0]  }
0x7c: {  	v12 =	vld [tilespmem:s31+$0xC0]  }
0x7d: {  	v13 =	vld [tilespmem:s31+$0x80D0]  }
0x7e: {  	v15 =	vld [tilespmem:s31+$0xD0]  }
0x7f: {  	v14 =	vld [tilespmem:s31+$0x80E0]  }
0x80: {  	v16 =	vld [tilespmem:s31+$0xE0]  }
0x81: {  	v17 =	vld [tilespmem:s31+$0x80F0]  }
0x82: {  	v20 =	vld [tilespmem:s31+$0xF0]  }
0x83: {  	v18 =	vld [tilespmem:s31+$0x8480]  }
0x84: {  	v21 =	vld [tilespmem:s31+$0x480]  }
0x85: {  	v19 =	vld [tilespmem:s31+$0x8490]  }
0x86: {  	v23 =	vld [tilespmem:s31+$0x490]  }
0x87: {  	v22 =	vld [tilespmem:s31+$0x84A0]  }
0x88: {  	s2 =	simm.s32 $0x100;
	s10 =	simm.s32 $0x0;
	v24 =	vld [tilespmem:s0+$0x0]  }
.LBB2_2:
0x89: {  	p0 =	sne.s32 s2, $0x7F00;
	v25 =	vld [tilespmem:s31+$0x4A0]  }
0x8a: {  	v26 =	vld [tilespmem:s31+$0x84B0]  }
0x8b: {  	v27 =	vld [tilespmem:s31+$0x4B0]  }
0x8c: {  	v28 =	vld [tilespmem:s31+$0x84C0]  }
0x8d: {  	v29 =	vld [tilespmem:s31+$0x4C0];
	(erf) = vrcp.f32 v24  }
0x8e: {  	v24 =	vld [tilespmem:s31+$0x84D0]  }
0x8f: {  	v30 =	vld [tilespmem:s31+$0x4D0]  }
0x90: {  	v31 =	vsub.f32 v3, v4;
	v6 =	vsub.f32 v5, v6;
	v32 =	vld [tilespmem:s31+$0x84E0]  }
0x91: {  	v7 =	vsub.f32 v7, v8;
	v8 =	vsub.f32 v9, v10;
	v9 =	vld [tilespmem:s31+$0x4E0]  }
0x92: {  	v10 =	vsub.f32 v11, v12;
	v11 =	vsub.f32 v13, v15;
	s10 =	sadd.s32 $0x80, s10;
	v12 =	vld [tilespmem:s31+$0x84F0]  }
0x93: {  	s11 =	sand.u32 $0x7800, s2;
	v13 =	vsub.f32 v14, v16;
	v14 =	vsub.f32 v17, v20;
	s12 =	sand.u32 $0x380, s10;
	v15 =	vld [tilespmem:s31+$0x4F0]  }
0x94: {  	v16 =	vsub.f32 v18, v21;
	s11 =	sor.u32 s12, s11;
	v17 =	vsub.f32 v19, v23  }
0x95: {  	v18 =	vsub.f32 v22, v25;
	v19 =	vsub.f32 v26, v27;
	v3 =	vld [tilespmem:s11+$0x8080]  }
0x96: {  	v20 =	vsub.f32 v28, v29;
	v21 =	vsub.f32 v24, v30;
	v4 =	vld [tilespmem:s11+$0x80];
	v22 =	vpop (erf)  }
0x97: {  	v25 =	vsub.f32 v32, v9;
	v5 =	vld [tilespmem:s11+$0x8090];
	v23 =	vmul.f32 v31, v22;
	v24 =	vmul.f32 v6, v22  }
0x98: {  	v9 =	vmul.f32 v7, v22;
	v26 =	vmul.f32 v8, v22;
	v6 =	vld [tilespmem:s11+$0x90];
	v27 =	vsub.f32 v12, v15  }
0x99: {  	v10 =	vmul.f32 v10, v22;
	v7 =	vld [tilespmem:s11+$0x80A0];
	v12 =	vand.u32 $0x7FFFFFFF, v23;
	v15 =	vand.u32 $0x7FFFFFFF, v24  }
0x9a: {  	v11 =	vmul.f32 v11, v22;
	v23 =	vand.u32 $0x7FFFFFFF, v26;
	v8 =	vld [tilespmem:s11+$0xA0];
	[tilespmem:s31+$0x14080] =	vst v12;
	v12 =	vand.u32 $0x7FFFFFFF, v9  }
0x9b: {  	v13 =	vmul.f32 v13, v22;
	v14 =	vmul.f32 v14, v22;
	v9 =	vld [tilespmem:s11+$0x80B0];
	[tilespmem:s31+$0x14090] =	vst v15;
	v15 =	vand.u32 $0x7FFFFFFF, v10  }
0x9c: {  	v16 =	vmul.f32 v16, v22;
	v17 =	vmul.f32 v17, v22;
	v24 =	vand.u32 $0x7FFFFFFF, v11;
	v10 =	vld [tilespmem:s11+$0xB0];
	[tilespmem:s31+$0x140A0] =	vst v12  }
0x9d: {  	v26 =	vand.u32 $0x7FFFFFFF, v14;
	v14 =	vmul.f32 v18, v22;
	v11 =	vld [tilespmem:s11+$0x80C0];
	[tilespmem:s31+$0x140B0] =	vst v23;
	v23 =	vand.u32 $0x7FFFFFFF, v13  }
0x9e: {  	v18 =	vand.u32 $0x7FFFFFFF, v16;
	v28 =	vand.u32 $0x7FFFFFFF, v17;
	v16 =	vmul.f32 v19, v22;
	v12 =	vld [tilespmem:s11+$0xC0];
	[tilespmem:s31+$0x140C0] =	vst v15  }
0x9f: {  	v17 =	vmul.f32 v20, v22;
	v20 =	vmul.f32 v21, v22;
	v19 =	vand.u32 $0x7FFFFFFF, v14;
	v13 =	vld [tilespmem:s11+$0x80D0];
	[tilespmem:s31+$0x140D0] =	vst v24  }
0xa0: {  	v21 =	vand.u32 $0x7FFFFFFF, v16;
	v15 =	vld [tilespmem:s11+$0xD0];
	[tilespmem:s31+$0x140E0] =	vst v23;
	v23 =	vmul.f32 v25, v22;
	v22 =	vmul.f32 v27, v22  }
0xa1: {  	v24 =	vand.u32 $0x7FFFFFFF, v17;
	v25 =	vand.u32 $0x7FFFFFFF, v20;
	v14 =	vld [tilespmem:s11+$0x80E0];
	[tilespmem:s31+$0x140F0] =	vst v26  }
0xa2: {  	v16 =	vld [tilespmem:s11+$0xE0];
	[tilespmem:s31+$0x14480] =	vst v18;
	v26 =	vand.u32 $0x7FFFFFFF, v23;
	v27 =	vand.u32 $0x7FFFFFFF, v22  }
0xa3: {  	v17 =	vld [tilespmem:s11+$0x80F0];
	[tilespmem:s31+$0x14490] =	vst v28  }
0xa4: {  	v20 =	vld [tilespmem:s11+$0xF0];
	[tilespmem:s31+$0x144A0] =	vst v19  }
0xa5: {  	v18 =	vld [tilespmem:s11+$0x8480];
	[tilespmem:s31+$0x144B0] =	vst v21  }
.Ltmp0:
0xa6: {  	v21 =	vld [tilespmem:s11+$0x480];
	[tilespmem:s31+$0x144C0] =	vst v24;
	(pc) =	sbr.rel @p0 .LBB2_2-.Ltmp0, $4  }
0xa7: {  	v19 =	vld [tilespmem:s11+$0x8490];
	[tilespmem:s31+$0x144D0] =	vst v25  }
0xa8: {  	v23 =	vld [tilespmem:s11+$0x490];
	[tilespmem:s31+$0x144E0] =	vst v26  }
0xa9: {  	s0 =	sadd.s32 $0x80, s0;
	v22 =	vld [tilespmem:s11+$0x84A0];
	[tilespmem:s31+$0x144F0] =	vst v27;
	s31 =	smov.u32 s11  }
0xaa: {  	s2 =	sadd.s32 $0x100, s2;
	v24 =	vld [tilespmem:s0+$0x0]  }
0xab: {  	_ =	sdelay $0x3  }
0xac: {  	(erf) = vrcp.f32 v24;
	_ =	sdelay $0x7  }
0xad: {  	v3 =	vsub.f32 v3, v4;
	v52 =	vld [tilespmem:s31+$0x84F0]  }
0xae: {  	v48 =	vsub.f32 v5, v6;
	v53 =	vld [tilespmem:s31+$0x4F0];
	v50 =	vpop (erf)  }
0xaf: {  	v47 =	vld [tilespmem:s31+$0x4A0];
	v7 =	vsub.f32 v7, v8;
	v3 =	vmul.f32 v3, v50  }
0xb0: {  	v25 =	vld [tilespmem:s31+$0x84B0];
	v9 =	vsub.f32 v9, v10;
	v4 =	vmul.f32 v48, v50  }
0xb1: {  	v26 =	vld [tilespmem:s31+$0x4B0];
	v11 =	vsub.f32 v11, v12;
	v7 =	vmul.f32 v7, v50;
	v3 =	vand.u32 $0x7FFFFFFF, v3  }
0xb2: {  	v27 =	vld [tilespmem:s31+$0x84C0];
	v13 =	vsub.f32 v13, v15;
	v9 =	vmul.f32 v9, v50;
	v4 =	vand.u32 $0x7FFFFFFF, v4;
	[tilespmem:s31+$0x14080] =	vst v3  }
0xb3: {  	v28 =	vld [tilespmem:s31+$0x4C0];
	v61 =	vsub.f32 v52, v53;
	v11 =	vmul.f32 v11, v50;
	v7 =	vand.u32 $0x7FFFFFFF, v7;
	[tilespmem:s31+$0x14090] =	vst v4  }
0xb4: {  	v29 =	vld [tilespmem:s31+$0x84D0];
	v54 =	vsub.f32 v17, v20;
	v13 =	vmul.f32 v13, v50;
	v9 =	vand.u32 $0x7FFFFFFF, v9;
	[tilespmem:s31+$0x140A0] =	vst v7  }
0xb5: {  	v30 =	vld [tilespmem:s31+$0x4D0];
	v55 =	vsub.f32 v18, v21;
	v6 =	vmul.f32 v61, v50;
	v11 =	vand.u32 $0x7FFFFFFF, v11;
	[tilespmem:s31+$0x140B0] =	vst v9  }
0xb6: {  	v49 =	vld [tilespmem:s31+$0x84E0];
	v13 =	vand.u32 $0x7FFFFFFF, v13;
	v3 =	vsub.f32 v14, v16;
	v4 =	vmul.f32 v54, v50;
	[tilespmem:s31+$0x140C0] =	vst v11  }
0xb7: {  	v51 =	vld [tilespmem:s31+$0x4E0];
	v56 =	vsub.f32 v19, v23;
	v63 =	vand.u32 $0x7FFFFFFF, v6;
	v7 =	vmul.f32 v55, v50;
	[tilespmem:s31+$0x140D0] =	vst v13  }
0xb8: {  	v57 =	vsub.f32 v22, v47;
	[tilespmem:s31+$0x144F0] =	vst v63;
	v3 =	vmul.f32 v3, v50;
	v4 =	vand.u32 $0x7FFFFFFF, v4  }
0xb9: {  	v58 =	vsub.f32 v25, v26;
	v9 =	vmul.f32 v56, v50;
	v7 =	vand.u32 $0x7FFFFFFF, v7;
	[tilespmem:s31+$0x140F0] =	vst v4  }
0xba: {  	v59 =	vsub.f32 v29, v30;
	v11 =	vmul.f32 v57, v50;
	[tilespmem:s31+$0x14480] =	vst v7;
	v3 =	vand.u32 $0x7FFFFFFF, v3  }
0xbb: {  	v13 =	vmul.f32 v58, v50;
	v9 =	vand.u32 $0x7FFFFFFF, v9;
	[tilespmem:s31+$0x140E0] =	vst v3;
	v3 =	vsub.f32 v27, v28  }
0xbc: {  	v5 =	vsub.f32 v49, v51;
	v60 =	vand.u32 $0x7FFFFFFF, v11;
	[tilespmem:s31+$0x14490] =	vst v9;
	v4 =	vmul.f32 v59, v50  }
0xbd: {  	v62 =	vand.u32 $0x7FFFFFFF, v13;
	[tilespmem:s31+$0x144A0] =	vst v60;
	v3 =	vmul.f32 v3, v50  }
0xbe: {  	v5 =	vmul.f32 v5, v50;
	[tilespmem:s31+$0x144B0] =	vst v62;
	v4 =	vand.u32 $0x7FFFFFFF, v4  }
0xbf: {  	s30 =	sadd.s32 $0x1, s30;
	[tilespmem:s31+$0x144D0] =	vst v4;
	v3 =	vand.u32 $0x7FFFFFFF, v3  }
0xc0: {  	p0 =	sne.s32 s30, s8;
	[tilespmem:s31+$0x144C0] =	vst v3;
	v3 =	vand.u32 $0x7FFFFFFF, v5  }
.Ltmp1:
0xc1: {  	[tilespmem:s31+$0x144E0] =	vst v3;
	(pc) =	sbr.rel @p0 .LBB2_1-.Ltmp1, $4  }
0xc2: {  	[hbm4b:s7+s3] =	stream.linear.scatter [tilespmem:s29], [sflag:$0x2], $0x8000, $0x38;
	[tilespmem:$0x1C080] =	vst v63  }
0xc3: {  	_ =	swait.ge [sflag:s9], $0x8000  }
0xc4: {  	[sflag:s9] =	ssyncset.done $0x0  }
0xc5: {  	[sflag:s9] =	ssyncadd.s32 $0xFFFF8000  }
0xc6: {  	_ =	sfence.sel $0x180000  }
0xc7: {  	[bflag:$0x0] =	sbarrier.arrive $0xFFFF  }
0xc8: {  	_ =	strace $0x90000047  }
0xc9: {  	s0 =	stileid.u32;
	[bflag:$0x2] =	sbarrier.arrive $0xFFFF  }
0xca: {  	p0 =	sne.s32 s0, $0x0;
	s0 =	rddreg [dreg:$0x4]  }
0xcb: {  	s0 =	sadd.s32 @!p0 $0x100000, s0  }
0xcc: {  	[sflag:s0] =	ssyncadd.tile.s32 @!p0 $0x1;
	_ =	shalt  }
.Lfunc_end2:
_tile_overlayer_lowered:
.L_overlay_start_2:
0xcd: {  	(tag) =	ssettag $0x2  }
0xce: {  	s0 =	rddreg [dreg:$0x0];
	s2 =	stileid.u32  }
0xcf: {  	s1 =	rddreg [dreg:$0x1];
	p0 =	sne.s32 s2, $0x0  }
0xd0: {  	s3 =	rddreg [dreg:$0x2];
	[bflag:$0x3] =	sbarrier.arrive $0xFFFF;
	s2 =	simm.s32 @!p0 $0x1C02  }
0xd1: {  	[timem:s3], [sflag:s2] =	dma.local @!p0 [hbm:s0], s1  }
0xd2: {  	s0 =	simm.s32 @!p0 $0x2  }
0xd3: {  	_ =	swait.ge @!p0 [sflag:s0], s1  }
0xd4: {  	s1 =	ssub.s32 @!p0 $0x0, s1;
	[sflag:s0] =	ssyncset.done @!p0 $0x0  }
0xd5: {  	[sflag:s0] =	ssyncadd.s32 @!p0 s1  }
0xd6: {  	[bflag:$0x3] =	sbarrier.arrive $0xFFFF  }
0xd7: {  	_ =	shalt  }

</sc_bundles>
